<compile_context>
chip_gen: v7x
topology: tpu7x:2x2x1
jax: 0.10.2.dev20260603
libtpu: 0.0.44.dev20260713+nightly
codegen_flags: <defaults>
</compile_context>

<pallas_src>
import functools

import jax
import jax.numpy as jnp
from jax import lax
from jax.experimental import pallas as pl
from jax.experimental.pallas import tpu as pltpu
from jax.experimental.pallas import tpu_sc as plsc

BATCH = 4096
IN_DIM = 784
MID = 1024
CODE = 8192
SD = 64
NS = 128
KN = 410
KS = 16
CC = 512

BT_A = 512
BT_B = 512
CT_B = 2048
KB = 1024
BT_D = 512
NW = 32
RPW = CC // NW


def _enc1_kernel(x_ref, w_ref, b_ref, o_ref):
    o_ref[...] = jnp.maximum(
        jnp.dot(x_ref[...], w_ref[...], preferred_element_type=jnp.float32)
        + b_ref[...], 0.0)


def _enc2_kernel(h1_ref, w2_ref, b2_ref, h2t_ref, cs_ref):
    i = pl.program_id(1)
    h2 = jnp.maximum(
        jnp.dot(h1_ref[...], w2_ref[...], preferred_element_type=jnp.float32)
        + b2_ref[...], 0.0)
    h2t_ref[...] = jnp.transpose(h2)
    ps = jnp.sum(h2, axis=0, keepdims=True)

    @pl.when(i == 0)
    def _():
        cs_ref[...] = ps

    @pl.when(i != 0)
    def _():
        cs_ref[...] = cs_ref[...] + ps


def _nmask_kernel(cs_ref, m_ref, slot_ref):
    bits = lax.bitcast_convert_type(cs_ref[...], jnp.int32)

    def tstep(k, t):
        cand = t | (1 << (30 - k))
        cnt = jnp.sum((bits >= cand).astype(jnp.int32))
        return jnp.where(cnt >= KN, cand, t)

    t = lax.fori_loop(0, 31, tstep, jnp.int32(0))
    m = jnp.sum((bits > t).astype(jnp.int32))
    r = KN - m
    tie = bits == t
    idx = lax.broadcasted_iota(jnp.int32, (1, CODE), 1)

    def jstep(k, J):
        cand = J | (1 << (13 - k))
        g = jnp.sum((tie & (idx < cand)).astype(jnp.int32))
        return jnp.where((cand <= CODE) & (g <= r), cand, J)

    J = lax.fori_loop(0, 14, jstep, jnp.int32(0))
    mask = (bits > t) | (tie & (idx < J))
    m_ref[...] = jnp.where(mask, 1.0, 0.0)
    x = m_ref[...]
    sh = 1
    while sh < CODE:
        x = x + jnp.concatenate(
            [jnp.zeros((1, sh), jnp.float32), x[:, :CODE - sh]], axis=1)
        sh *= 2
    slot_ref[...] = jnp.where(mask, x - 1.0, -1.0)


def _build_kernel(slot_ref, w3_ref, idx_ref, w3ct_ref, selp_ref, selt_ref,
                  w3c_acc, st_acc):
    k = pl.program_id(0)
    slot_blk = slot_ref[...]
    jrow = lax.broadcasted_iota(jnp.int32, (CC, KB), 0)
    pt_blk = (jrow == slot_blk.astype(jnp.int32)).astype(jnp.float32)
    pt_blk = jnp.where(slot_blk >= 0.0, pt_blk, 0.0)
    ptb = pt_blk.astype(jnp.bfloat16)
    giota = (lax.broadcasted_iota(jnp.int32, (1, KB), 1)
             + k * KB).astype(jnp.float32)
    g_hi = giota.astype(jnp.bfloat16)
    g_lo = (giota - g_hi.astype(jnp.float32)).astype(jnp.bfloat16)
    dn = (((1,), (1,)), ((), ()))
    idx_part = (lax.dot_general(g_hi, ptb, dn,
                                preferred_element_type=jnp.float32)
                + lax.dot_general(g_lo, ptb, dn,
                                  preferred_element_type=jnp.float32))
    stripe = ((lax.broadcasted_iota(jnp.int32, (1, KB), 1)
               + k * KB) // SD).astype(jnp.bfloat16)
    st_part = lax.dot_general(stripe, ptb, dn,
                              preferred_element_type=jnp.float32)
    w3c_part = jnp.dot(ptb, w3_ref[...].astype(jnp.bfloat16),
                       preferred_element_type=jnp.float32)

    @pl.when(k == 0)
    def _():
        st_acc[...] = st_part
        idx_ref[...] = idx_part
        w3c_acc[...] = w3c_part

    @pl.when(k != 0)
    def _():
        st_acc[...] = st_acc[...] + st_part
        idx_ref[...] = idx_ref[...] + idx_part
        w3c_acc[...] = w3c_acc[...] + w3c_part

    @pl.when(k == CODE // KB - 1)
    def _():
        st = st_acc[...]
        jcol = lax.broadcasted_iota(jnp.int32, (NS, CC), 1)
        srow = lax.broadcasted_iota(jnp.int32, (NS, CC), 0)
        valid = jcol < KN
        selp_ref[...] = ((srow == st.astype(jnp.int32)) & valid).astype(
            jnp.bfloat16)
        selt_ref[...] = jnp.transpose(selp_ref[...])
        w3ct_ref[...] = jnp.transpose(
            w3c_acc[...].astype(jnp.bfloat16))


def _sc_gather(h2t_hbm, idx_hbm, out_hbm, idx_v, rows_v, sem):
    wid = lax.axis_index("s") * 2 + lax.axis_index("c")
    base = wid * RPW
    pltpu.sync_copy(idx_hbm.at[pl.ds(base, RPW)], idx_v)
    pltpu.async_copy(h2t_hbm.at[idx_v], rows_v, sem).wait()
    pltpu.sync_copy(rows_v, out_hbm.at[pl.ds(base, RPW)])


def _dect_kernel(c_ref, selp_ref, selt_ref, w3ct_ref, b3c_ref, w4t_ref,
                 b4c_ref, o_ref):
    c = c_ref[...]
    c_hi = c.astype(jnp.bfloat16)
    c_lo = (c - c_hi.astype(jnp.float32)).astype(jnp.bfloat16)
    selp = selp_ref[...]
    ss = (jnp.dot(selp, c_hi, preferred_element_type=jnp.float32)
          + jnp.dot(selp, c_lo, preferred_element_type=jnp.float32))

    bits = lax.bitcast_convert_type(ss, jnp.int32)

    def tstep(k, t):
        cand = t | (1 << (30 - k))
        cnt = jnp.sum((bits >= cand).astype(jnp.int32), axis=0,
                      keepdims=True)
        return jnp.where(cnt >= KS, cand, t)

    t = lax.fori_loop(0, 31, tstep, jnp.zeros((1, BT_D), jnp.int32))
    m = jnp.sum((bits > t).astype(jnp.int32), axis=0, keepdims=True)
    r = KS - m
    tie = bits == t
    sidx = lax.broadcasted_iota(jnp.int32, (NS, 1), 0)

    def jstep(k, J):
        cand = J | (1 << (7 - k))
        g = jnp.sum((tie & (sidx < cand)).astype(jnp.int32), axis=0,
                    keepdims=True)
        return jnp.where((cand <= NS) & (g <= r), cand, J)

    J = lax.fori_loop(0, 8, jstep, jnp.zeros((1, BT_D), jnp.int32))
    smaskt = ((bits > t) | (tie & (sidx < J))).astype(jnp.bfloat16)

    em = jnp.dot(selt_ref[...], smaskt,
                 preferred_element_type=jnp.float32)
    cm = c_hi * em.astype(jnp.bfloat16)
    h3 = jnp.maximum(
        jnp.dot(w3ct_ref[...], cm, preferred_element_type=jnp.float32)
        + b3c_ref[...], 0.0)
    ot = jnp.maximum(
        jnp.dot(w4t_ref[...], h3.astype(jnp.bfloat16),
                preferred_element_type=jnp.float32) + b4c_ref[...], 0.0)
    o_ref[...] = jnp.transpose(ot)


def _w4t_kernel(w4_ref, o_ref):
    o_ref[...] = jnp.transpose(w4_ref[...].astype(jnp.bfloat16))


@jax.jit
def kernel(x, W1, b1, W2, b2, W3, b3, W4, b4):
    b1r = b1.reshape(1, MID)
    b2r = b2.reshape(1, CODE)
    b3c = b3.reshape(MID, 1)
    b4c = b4.reshape(IN_DIM, 1)

    h1 = pl.pallas_call(
        _enc1_kernel,
        grid=(BATCH // BT_A,),
        in_specs=[
            pl.BlockSpec((BT_A, IN_DIM), lambda i: (i, 0)),
            pl.BlockSpec((IN_DIM, MID), lambda i: (0, 0)),
            pl.BlockSpec((1, MID), lambda i: (0, 0)),
        ],
        out_specs=pl.BlockSpec((BT_A, MID), lambda i: (i, 0)),
        out_shape=jax.ShapeDtypeStruct((BATCH, MID), jnp.float32),
    )(x, W1, b1r)

    h2t, cs = pl.pallas_call(
        _enc2_kernel,
        grid=(CODE // CT_B, BATCH // BT_B),
        in_specs=[
            pl.BlockSpec((BT_B, MID), lambda j, i: (i, 0)),
            pl.BlockSpec((MID, CT_B), lambda j, i: (0, j)),
            pl.BlockSpec((1, CT_B), lambda j, i: (0, j)),
        ],
        out_specs=[
            pl.BlockSpec((CT_B, BT_B), lambda j, i: (j, i)),
            pl.BlockSpec((1, CT_B), lambda j, i: (0, j)),
        ],
        out_shape=[
            jax.ShapeDtypeStruct((CODE, BATCH), jnp.float32),
            jax.ShapeDtypeStruct((1, CODE), jnp.float32),
        ],
    )(h1, W2, b2r)

    nmask, slotm = pl.pallas_call(
        _nmask_kernel,
        out_shape=[
            jax.ShapeDtypeStruct((1, CODE), jnp.float32),
            jax.ShapeDtypeStruct((1, CODE), jnp.float32),
        ],
    )(cs)

    idxf, w3ct, selp, selt = pl.pallas_call(
        _build_kernel,
        grid=(CODE // KB,),
        in_specs=[
            pl.BlockSpec((1, KB), lambda k: (0, k)),
            pl.BlockSpec((KB, MID), lambda k: (k, 0)),
        ],
        out_specs=[
            pl.BlockSpec((1, CC), lambda k: (0, 0)),
            pl.BlockSpec((MID, CC), lambda k: (0, 0)),
            pl.BlockSpec((NS, CC), lambda k: (0, 0)),
            pl.BlockSpec((CC, NS), lambda k: (0, 0)),
        ],
        out_shape=[
            jax.ShapeDtypeStruct((1, CC), jnp.float32),
            jax.ShapeDtypeStruct((MID, CC), jnp.bfloat16),
            jax.ShapeDtypeStruct((NS, CC), jnp.bfloat16),
            jax.ShapeDtypeStruct((CC, NS), jnp.bfloat16),
        ],
        scratch_shapes=[
            pltpu.VMEM((CC, MID), jnp.float32),
            pltpu.VMEM((1, CC), jnp.float32),
        ],
    )(slotm, W3)

    idx = idxf.reshape(CC).astype(jnp.int32)

    mesh = plsc.VectorSubcoreMesh(core_axis_name="c", subcore_axis_name="s")
    gather = functools.partial(
        pl.kernel, mesh=mesh,
        out_type=jax.ShapeDtypeStruct((CC, BATCH), jnp.float32),
        scratch_types=[
            pltpu.VMEM((RPW,), jnp.int32),
            pltpu.VMEM((RPW, BATCH), jnp.float32),
            pltpu.SemaphoreType.DMA,
        ],
    )(_sc_gather)
    c = gather(h2t, idx)

    w4t = pl.pallas_call(
        _w4t_kernel,
        in_specs=[pl.BlockSpec((MID, IN_DIM), lambda: (0, 0))],
        out_specs=pl.BlockSpec((IN_DIM, MID), lambda: (0, 0)),
        out_shape=jax.ShapeDtypeStruct((IN_DIM, MID), jnp.bfloat16),
    )(W4)

    out = pl.pallas_call(
        _dect_kernel,
        grid=(BATCH // BT_D,),
        in_specs=[
            pl.BlockSpec((CC, BT_D), lambda i: (0, i)),
            pl.BlockSpec((NS, CC), lambda i: (0, 0)),
            pl.BlockSpec((CC, NS), lambda i: (0, 0)),
            pl.BlockSpec((MID, CC), lambda i: (0, 0)),
            pl.BlockSpec((MID, 1), lambda i: (0, 0)),
            pl.BlockSpec((IN_DIM, MID), lambda i: (0, 0)),
            pl.BlockSpec((IN_DIM, 1), lambda i: (0, 0)),
        ],
        out_specs=pl.BlockSpec((BT_D, IN_DIM), lambda i: (i, 0)),
        out_shape=jax.ShapeDtypeStruct((BATCH, IN_DIM), jnp.float32),
    )(c, selp, selt, w3ct, b3c, w4t, b4c)
    return out

# --- scband reference (transcript-rebuilt; emitter-appended) ---
"""Pipeline reference for scband-net-20461224198440 (READ-ONLY COPY).

The authoritative reference and input builder live on the scoring server;
editing this copy changes nothing except your own understanding.
"""

import jax, jax.numpy as jnp
import numpy as np

BATCH = 4096
IN_DIM = 784
INTERMEDIATE = 1024
STRIPE_DIM = 64
NUM_STRIPES = 128
CODE_DIM = STRIPE_DIM * NUM_STRIPES  # 8192
NUM_ACTIVE_NEURONS = 410
NUM_ACTIVE_STRIPES = 16


def _init_linear(key, fan_in, fan_out):
    bound = 1.0 / np.sqrt(fan_in)
    k1, k2 = jax.random.split(key)
    W = jax.random.uniform(k1, (fan_in, fan_out), jnp.float32, -bound, bound)
    b = jax.random.uniform(k2, (fan_out,), jnp.float32, -bound, bound)
    return W, b


def setup_inputs(seed: int = 0) -> dict:
    key = jax.random.key(seed)
    ks = jax.random.split(key, 5)
    x = jax.random.uniform(ks[0], (BATCH, IN_DIM), jnp.float32)
    W1, b1 = _init_linear(ks[1], IN_DIM, INTERMEDIATE)
    W2, b2 = _init_linear(ks[2], INTERMEDIATE, CODE_DIM)
    W3, b3 = _init_linear(ks[3], CODE_DIM, INTERMEDIATE)
    W4, b4 = _init_linear(ks[4], INTERMEDIATE, IN_DIM)
    return {"x": x, "W1": W1, "b1": b1, "W2": W2, "b2": b2,
            "W3": W3, "b3": b3, "W4": W4, "b4": b4}


def reference(x, W1, b1, W2, b2, W3, b3, W4, b4):
    # encode
    h = jax.nn.relu(x @ W1 + b1)
    h = jax.nn.relu(h @ W2 + b2)
    # lifetime sparsify: top-k neurons by batch-mean activation
    mean_act = h.mean(axis=0)
    _, top_idx = jax.lax.top_k(mean_act, NUM_ACTIVE_NEURONS)
    neuron_mask = jnp.zeros((CODE_DIM,), h.dtype).at[top_idx].set(1.0)
    h = neuron_mask * h
    # stripe sparsify per sample
    h = h.reshape(-1, NUM_STRIPES, STRIPE_DIM)

    def sparsify_stripes(sample):
        avg_values = jnp.mean(sample, axis=1)
        _, cluster_idx = jax.lax.top_k(avg_values, NUM_ACTIVE_STRIPES)
        smask = jnp.zeros((NUM_STRIPES,), sample.dtype).at[cluster_idx].set(1.0)
        return sample * smask[:, None]

    h = jax.vmap(sparsify_stripes)(h)
    # decode
    h = h.reshape(-1, CODE_DIM)
    h = jax.nn.relu(h @ W3 + b3)
    h = jax.nn.relu(h @ W4 + b4)
    return h

if __name__ == "__main__":
    import jax
    _d = setup_inputs()
    print(jax.jit(kernel)(*tuple(_d.values())))

</pallas_src>

<mosaic_0001>
#map = affine_map<(d0, d1) -> (0, 0)>
#map1 = affine_map<(d0, d1) -> (0)>
module attributes {stable_mosaic.version = 14 : i64} {
  func.func @_sc_gather(%arg0: i32, %arg1: i32, %arg2: memref<8192x4096xf32, #tpu.memory_space<hbm>>, %arg3: memref<512xi32, #tpu.memory_space<hbm>>, %arg4: memref<512x4096xf32, #tpu.memory_space<hbm>>, %arg5: memref<16xi32, #tpu.memory_space<vmem>>, %arg6: memref<16x4096xf32, #tpu.memory_space<vmem>>, %arg7: memref<!tpu.dma_semaphore, #tpu.memory_space<semaphore_mem>>) attributes {dimension_semantics = [#tpu.dimension_semantics<core_parallel>, #tpu.dimension_semantics<subcore_parallel>], iteration_bounds = array<i64: 2, 16>, scalar_prefetch = 0 : i64, scratch_operands = 3 : i64, tpu.core_type = #tpu.core_type<sc_vector_subcore>, window_params = [{transform_indices = #map}, {transform_indices = #map1}, {transform_indices = #map}]} {
    %mul3A = arith.constant 2 : i32
    %mul3A_0 = arith.muli %arg1, %mul3A : i32
    %add3A = arith.addi %mul3A_0, %arg0 : i32
    %mul3A_1 = arith.constant 16 : i32
    %mul3A_2 = arith.muli %add3A, %mul3A_1 : i32
    "tpu.region"() ({
      %run_scoped3A = tpu.sem_alloc : memref<!tpu.dma_semaphore, #tpu.memory_space<semaphore_mem>>
      %dma_start3A_7 = tpu.memref_slice %arg3[%mul3A_2] : memref<512xi32, #tpu.memory_space<hbm>> -> memref<16xi32, #tpu.memory_space<hbm>>
      %dma_start3A_8 = tpu.memref_slice %arg3[%mul3A_2] : memref<512xi32, #tpu.memory_space<hbm>> -> memref<16xi32, #tpu.memory_space<hbm>>
      tpu.enqueue_dma source(%dma_start3A_8 : memref<16xi32, #tpu.memory_space<hbm>>) target(%arg5 : memref<16xi32, #tpu.memory_space<vmem>>) target_semaphore(%run_scoped3A : memref<!tpu.dma_semaphore, #tpu.memory_space<semaphore_mem>>)
      %dma_wait3A_9 = tpu.memref_slice %arg3[%mul3A_2] : memref<512xi32, #tpu.memory_space<hbm>> -> memref<16xi32, #tpu.memory_space<hbm>>
      %dma_wait3A_10 = tpu.memref_slice %arg3[%mul3A_2] : memref<512xi32, #tpu.memory_space<hbm>> -> memref<16xi32, #tpu.memory_space<hbm>>
      tpu.wait_dma2 semaphore(%run_scoped3A : memref<!tpu.dma_semaphore, #tpu.memory_space<semaphore_mem>>) src(%dma_wait3A_10 : memref<16xi32, #tpu.memory_space<hbm>>) dst(%arg5 : memref<16xi32, #tpu.memory_space<vmem>>)
      tpu.yield
    }) : () -> ()
    %dma_start3A = arith.constant 0 : i32
    %dma_start3A_3 = arith.constant 0 : i32
    %dma_start3A_4 = tpu.memref_slice %arg2[%dma_start3A, %dma_start3A_3] : memref<8192x4096xf32, #tpu.memory_space<hbm>> -> memref<8192x4096xf32, #tpu.memory_space<hbm>>
    tpu.enqueue_indirect_dma source(%dma_start3A_4 : memref<8192x4096xf32, #tpu.memory_space<hbm>>) target(%arg6 : memref<16x4096xf32, #tpu.memory_space<vmem>>) offsets(%arg5 : memref<16xi32, #tpu.memory_space<vmem>>) semaphore(%arg7 : memref<!tpu.dma_semaphore, #tpu.memory_space<semaphore_mem>>)
    %dma_wait3A = arith.constant 0 : i32
    %dma_wait3A_5 = arith.constant 0 : i32
    %dma_wait3A_6 = tpu.memref_slice %arg2[%dma_wait3A, %dma_wait3A_5] : memref<8192x4096xf32, #tpu.memory_space<hbm>> -> memref<8192x4096xf32, #tpu.memory_space<hbm>>
    tpu.wait_indirect_dma semaphore(%arg7 : memref<!tpu.dma_semaphore, #tpu.memory_space<semaphore_mem>>) src(%dma_wait3A_6 : memref<8192x4096xf32, #tpu.memory_space<hbm>>) dst(%arg6 : memref<16x4096xf32, #tpu.memory_space<vmem>>)
    "tpu.region"() ({
      %run_scoped3A = tpu.sem_alloc : memref<!tpu.dma_semaphore, #tpu.memory_space<semaphore_mem>>
      %dma_start3A_7 = arith.constant 0 : i32
      %dma_start3A_8 = tpu.memref_slice %arg4[%mul3A_2, %dma_start3A_7] : memref<512x4096xf32, #tpu.memory_space<hbm>> -> memref<16x4096xf32, #tpu.memory_space<hbm>>
      %dma_start3A_9 = arith.constant 0 : i32
      %dma_start3A_10 = tpu.memref_slice %arg4[%mul3A_2, %dma_start3A_9] : memref<512x4096xf32, #tpu.memory_space<hbm>> -> memref<16x4096xf32, #tpu.memory_space<hbm>>
      tpu.enqueue_dma source(%arg6 : memref<16x4096xf32, #tpu.memory_space<vmem>>) target(%dma_start3A_10 : memref<16x4096xf32, #tpu.memory_space<hbm>>) target_semaphore(%run_scoped3A : memref<!tpu.dma_semaphore, #tpu.memory_space<semaphore_mem>>)
      %dma_wait3A_11 = arith.constant 0 : i32
      %dma_wait3A_12 = tpu.memref_slice %arg4[%mul3A_2, %dma_wait3A_11] : memref<512x4096xf32, #tpu.memory_space<hbm>> -> memref<16x4096xf32, #tpu.memory_space<hbm>>
      %dma_wait3A_13 = arith.constant 0 : i32
      %dma_wait3A_14 = tpu.memref_slice %arg4[%mul3A_2, %dma_wait3A_13] : memref<512x4096xf32, #tpu.memory_space<hbm>> -> memref<16x4096xf32, #tpu.memory_space<hbm>>
      tpu.wait_dma2 semaphore(%run_scoped3A : memref<!tpu.dma_semaphore, #tpu.memory_space<semaphore_mem>>) src(%arg6 : memref<16x4096xf32, #tpu.memory_space<vmem>>) dst(%dma_wait3A_14 : memref<16x4096xf32, #tpu.memory_space<hbm>>)
      tpu.yield
    }) : () -> ()
    return
  }
}

module attributes {stable_mosaic.version = 14 : i64} {
  func.func @_enc2_kernel(%arg0: i32, %arg1: i32, %arg2: memref<512x1024xf32, #tpu.memory_space<vmem>>, %arg3: memref<1024x2048xf32, #tpu.memory_space<vmem>>, %arg4: memref<1x2048xf32, #tpu.memory_space<vmem>>, %arg5: memref<2048x512xf32, #tpu.memory_space<vmem>>, %arg6: memref<1x2048xf32, #tpu.memory_space<vmem>>) attributes {dimension_semantics = [#tpu.dimension_semantics<arbitrary>, #tpu.dimension_semantics<arbitrary>], iteration_bounds = array<i64: 4, 8>, scalar_prefetch = 0 : i64, scratch_operands = 0 : i64, tpu.core_type = #tpu.core_type<tc>, window_params = [{transform_indices = @transform_0, window_bounds = array<i64: 512, 1024>}, {transform_indices = @transform_1, window_bounds = array<i64: 1024, 2048>}, {transform_indices = @transform_2, window_bounds = array<i64: 1, 2048>}, {transform_indices = @transform_3, window_bounds = array<i64: 2048, 512>}, {transform_indices = @transform_4, window_bounds = array<i64: 1, 2048>}]} {
    %get3A = arith.constant 0 : index
    %get3A_0 = arith.constant 0 : index
    %get3A_1 = vector.load %arg2[%get3A, %get3A_0] : memref<512x1024xf32, #tpu.memory_space<vmem>>, vector<512x1024xf32>
    %get3A_2 = arith.constant 0 : index
    %get3A_3 = arith.constant 0 : index
    %get3A_4 = vector.load %arg3[%get3A_2, %get3A_3] : memref<1024x2048xf32, #tpu.memory_space<vmem>>, vector<1024x2048xf32>
    %dot_general3A = arith.constant dense<0.000000e+00> : vector<512x2048xf32>
    %dot_general3A_5 = tpu.matmul %get3A_1, %get3A_4, %dot_general3A {dimension_numbers = #tpu.dot_dimension_numbers<[1], [0], [0], [1], [0, 0, 1, 1], [], []>, transpose_lhs_hint = false} : vector<512x1024xf32>, vector<1024x2048xf32>, vector<512x2048xf32> -> vector<512x2048xf32>
    %get3A_6 = arith.constant 0 : index
    %get3A_7 = arith.constant 0 : index
    %get3A_8 = vector.load %arg4[%get3A_6, %get3A_7] : memref<1x2048xf32, #tpu.memory_space<vmem>>, vector<1x2048xf32>
    %add3A = vector.broadcast %get3A_8 : vector<1x2048xf32> to vector<512x2048xf32>
    %add3A_9 = arith.addf %dot_general3A_5, %add3A : vector<512x2048xf32>
    %max3A = arith.constant 0.000000e+00 : f32
    %max3A_10 = vector.broadcast %max3A : f32 to vector<512x2048xf32>
    %max3A_11 = arith.maximumf %add3A_9, %max3A_10 : vector<512x2048xf32>
    %transpose3A = tpu.transpose %max3A_11, [1, 0] : vector<512x2048xf32> -> vector<2048x512xf32>
    %swap3A = arith.constant 0 : index
    %swap3A_12 = arith.constant 0 : index
    %swap3A_13 = vector.load %arg5[%swap3A, %swap3A_12] : memref<2048x512xf32, #tpu.memory_space<vmem>>, vector<2048x512xf32>
    tpu.vector_store %arg5[%swap3A, %swap3A_12], %transpose3A {strides = array<i32>} : memref<2048x512xf32, #tpu.memory_space<vmem>>, vector<2048x512xf32>,
    %reduce_sum3A = arith.constant dense<0.000000e+00> : vector<2048xf32>
    %reduce_sum3A_14 = vector.multi_reduction <add>, %max3A_11, %reduce_sum3A [0] : vector<512x2048xf32> to vector<2048xf32>
    %broadcast_in_dim3A = vector.shape_cast %reduce_sum3A_14 : vector<2048xf32> to vector<1x2048xf32>
    %eq3A = arith.constant 0 : i32
    %eq3A_15 = arith.cmpi eq, %arg1, %eq3A : i32
    %convert_element_type3A = arith.extui %eq3A_15 : i1 to i32
    %cond3A = arith.constant 0 : i32
    %cond3A_16 = arith.cmpi ne, %convert_element_type3A, %cond3A : i32
    scf.if %cond3A_16 {
      %swap3A_21 = arith.constant 0 : index
      %swap3A_22 = arith.constant 0 : index
      %swap3A_23 = vector.load %arg6[%swap3A_21, %swap3A_22] : memref<1x2048xf32, #tpu.memory_space<vmem>>, vector<1x2048xf32>
      tpu.vector_store %arg6[%swap3A_21, %swap3A_22], %broadcast_in_dim3A {strides = array<i32>} : memref<1x2048xf32, #tpu.memory_space<vmem>>, vector<1x2048xf32>,
    } else {
    }
    %ne3A = arith.constant 0 : i32
    %ne3A_17 = arith.cmpi ne, %arg1, %ne3A : i32
    %convert_element_type3A_18 = arith.extui %ne3A_17 : i1 to i32
    %cond3A_19 = arith.constant 0 : i32
    %cond3A_20 = arith.cmpi ne, %convert_element_type3A_18, %cond3A_19 : i32
    scf.if %cond3A_20 {
      %get3A_21 = arith.constant 0 : index
      %get3A_22 = arith.constant 0 : index
      %get3A_23 = vector.load %arg6[%get3A_21, %get3A_22] : memref<1x2048xf32, #tpu.memory_space<vmem>>, vector<1x2048xf32>
      %add3A_24 = arith.addf %get3A_23, %broadcast_in_dim3A : vector<1x2048xf32>
      %swap3A_25 = arith.constant 0 : index
      %swap3A_26 = arith.constant 0 : index
      %swap3A_27 = vector.load %arg6[%swap3A_25, %swap3A_26] : memref<1x2048xf32, #tpu.memory_space<vmem>>, vector<1x2048xf32>
      tpu.vector_store %arg6[%swap3A_25, %swap3A_26], %add3A_24 {strides = array<i32>} : memref<1x2048xf32, #tpu.memory_space<vmem>>, vector<1x2048xf32>,
    } else {
    }
    return
  }
  func.func @transform_0(%arg0: i32, %arg1: i32) -> (i32, i32) {
    %c0_i32 = arith.constant 0 : i32
    %c0_i32_0 = arith.constant 0 : i32
    return %arg1, %c0_i32 : i32, i32
  }
  func.func @transform_1(%arg0: i32, %arg1: i32) -> (i32, i32) {
    %c0_i32 = arith.constant 0 : i32
    %c0_i32_0 = arith.constant 0 : i32
    return %c0_i32, %arg0 : i32, i32
  }
  func.func @transform_2(%arg0: i32, %arg1: i32) -> (i32, i32) {
    %c0_i32 = arith.constant 0 : i32
    %c0_i32_0 = arith.constant 0 : i32
    return %c0_i32, %arg0 : i32, i32
  }
  func.func @transform_3(%arg0: i32, %arg1: i32) -> (i32, i32) {
    %c0_i32 = arith.constant 0 : i32
    return %arg0, %arg1 : i32, i32
  }
  func.func @transform_4(%arg0: i32, %arg1: i32) -> (i32, i32) {
    %c0_i32 = arith.constant 0 : i32
    %c0_i32_0 = arith.constant 0 : i32
    return %c0_i32, %arg0 : i32, i32
  }
}

module attributes {stable_mosaic.version = 14 : i64} {
  func.func @_enc1_kernel(%arg0: i32, %arg1: memref<512x784xf32, #tpu.memory_space<vmem>>, %arg2: memref<784x1024xf32, #tpu.memory_space<vmem>>, %arg3: memref<1x1024xf32, #tpu.memory_space<vmem>>, %arg4: memref<512x1024xf32, #tpu.memory_space<vmem>>) attributes {dimension_semantics = [#tpu.dimension_semantics<arbitrary>], iteration_bounds = array<i64: 8>, scalar_prefetch = 0 : i64, scratch_operands = 0 : i64, tpu.core_type = #tpu.core_type<tc>, window_params = [{transform_indices = @transform_0, window_bounds = array<i64: 512, 784>}, {pipeline_mode = #tpu.pipeline_mode<synchronous>, transform_indices = @transform_1, window_bounds = array<i64: 784, 1024>}, {pipeline_mode = #tpu.pipeline_mode<synchronous>, transform_indices = @transform_2, window_bounds = array<i64: 1, 1024>}, {transform_indices = @transform_3, window_bounds = array<i64: 512, 1024>}]} {
    %get3A = arith.constant 0 : index
    %get3A_0 = arith.constant 0 : index
    %get3A_1 = vector.load %arg1[%get3A, %get3A_0] : memref<512x784xf32, #tpu.memory_space<vmem>>, vector<512x784xf32>
    %get3A_2 = arith.constant 0 : index
    %get3A_3 = arith.constant 0 : index
    %get3A_4 = vector.load %arg2[%get3A_2, %get3A_3] : memref<784x1024xf32, #tpu.memory_space<vmem>>, vector<784x1024xf32>
    %dot_general3A = arith.constant dense<0.000000e+00> : vector<512x1024xf32>
    %dot_general3A_5 = tpu.matmul %get3A_1, %get3A_4, %dot_general3A {dimension_numbers = #tpu.dot_dimension_numbers<[1], [0], [0], [1], [0, 0, 1, 1], [], []>, transpose_lhs_hint = false} : vector<512x784xf32>, vector<784x1024xf32>, vector<512x1024xf32> -> vector<512x1024xf32>
    %get3A_6 = arith.constant 0 : index
    %get3A_7 = arith.constant 0 : index
    %get3A_8 = vector.load %arg3[%get3A_6, %get3A_7] : memref<1x1024xf32, #tpu.memory_space<vmem>>, vector<1x1024xf32>
    %add3A = vector.broadcast %get3A_8 : vector<1x1024xf32> to vector<512x1024xf32>
    %add3A_9 = arith.addf %dot_general3A_5, %add3A : vector<512x1024xf32>
    %max3A = arith.constant 0.000000e+00 : f32
    %max3A_10 = vector.broadcast %max3A : f32 to vector<512x1024xf32>
    %max3A_11 = arith.maximumf %add3A_9, %max3A_10 : vector<512x1024xf32>
    %swap3A = arith.constant 0 : index
    %swap3A_12 = arith.constant 0 : index
    %swap3A_13 = vector.load %arg4[%swap3A, %swap3A_12] : memref<512x1024xf32, #tpu.memory_space<vmem>>, vector<512x1024xf32>
    tpu.vector_store %arg4[%swap3A, %swap3A_12], %max3A_11 {strides = array<i32>} : memref<512x1024xf32, #tpu.memory_space<vmem>>, vector<512x1024xf32>,
    return
  }
  func.func @transform_0(%arg0: i32) -> (i32, i32) {
    %c0_i32 = arith.constant 0 : i32
    %c0_i32_0 = arith.constant 0 : i32
    return %arg0, %c0_i32 : i32, i32
  }
  func.func @transform_1(%arg0: i32) -> (i32, i32) {
    %c0_i32 = arith.constant 0 : i32
    %c0_i32_0 = arith.constant 0 : i32
    %c0_i32_1 = arith.constant 0 : i32
    return %c0_i32, %c0_i32_0 : i32, i32
  }
  func.func @transform_2(%arg0: i32) -> (i32, i32) {
    %c0_i32 = arith.constant 0 : i32
    %c0_i32_0 = arith.constant 0 : i32
    %c0_i32_1 = arith.constant 0 : i32
    return %c0_i32, %c0_i32_0 : i32, i32
  }
  func.func @transform_3(%arg0: i32) -> (i32, i32) {
    %c0_i32 = arith.constant 0 : i32
    %c0_i32_0 = arith.constant 0 : i32
    return %arg0, %c0_i32 : i32, i32
  }
}

module attributes {stable_mosaic.version = 14 : i64} {
  func.func @_nmask_kernel(%arg0: memref<1x8192xf32, #tpu.memory_space<vmem>>, %arg1: memref<1x8192xf32, #tpu.memory_space<vmem>>, %arg2: memref<1x8192xf32, #tpu.memory_space<vmem>>) attributes {dimension_semantics = [], scalar_prefetch = 0 : i64, scratch_operands = 0 : i64, tpu.core_type = #tpu.core_type<tc>} {
    %get3A = arith.constant 0 : index
    %get3A_0 = arith.constant 0 : index
    %get3A_1 = vector.load %arg0[%get3A, %get3A_0] : memref<1x8192xf32, #tpu.memory_space<vmem>>, vector<1x8192xf32>
    %bitcast_convert_type3A = tpu.bitcast %get3A_1 : vector<1x8192xf32> -> vector<1x8192xi32>
    %scan3A = arith.constant 0 : i32
    %scan3A_2 = arith.constant 0 : i32
    %scan3A_3 = arith.constant 31 : i32
    %scan3A_4 = arith.addi %scan3A_2, %scan3A_3 : i32
    %scan3A_5 = arith.constant 1 : i32
    %scan3A_6 = scf.for %scan3A_103 = %scan3A_2 to %scan3A_4 step %scan3A_5 iter_args(%scan3A_104 = %scan3A) -> (i32)  : i32 {
      %sub3A_105 = arith.constant 30 : i32
      %sub3A_106 = arith.subi %sub3A_105, %scan3A_103 : i32
      %shift_left3A = arith.constant 1 : i32
      %shift_left3A_107 = arith.shli %shift_left3A, %sub3A_106 : i32
      %or3A_108 = arith.ori %scan3A_104, %shift_left3A_107 : i32
      %ge3A = vector.broadcast %or3A_108 : i32 to vector<1x8192xi32>
      %ge3A_109 = arith.cmpi sge, %bitcast_convert_type3A, %ge3A : vector<1x8192xi32>
      %convert_element_type3A_110 = arith.extui %ge3A_109 : vector<1x8192xi1> to vector<1x8192xi32>
      %reduce_sum3A_111 = vector.shape_cast %convert_element_type3A_110 : vector<1x8192xi32> to vector<1x1x8192xi32>
      %reduce_sum3A_112 = arith.constant dense<0> : vector<1xi32>
      %reduce_sum3A_113 = vector.multi_reduction <add>, %reduce_sum3A_111, %reduce_sum3A_112 [1, 2] : vector<1x1x8192xi32> to vector<1xi32>
      %reduce_sum3A_114 = vector.shape_cast %reduce_sum3A_113 : vector<1xi32> to vector<1x1x1xi32>
      %reduce_sum3A_115 = vector.extract %reduce_sum3A_114[0, 0, 0] : i32 from vector<1x1x1xi32>
      %ge3A_116 = arith.constant 410 : i32
      %ge3A_117 = arith.cmpi sge, %reduce_sum3A_115, %ge3A_116 : i32
      %select_n3A_118 = arith.select %ge3A_117, %or3A_108, %scan3A_104 : i32
      scf.yield %select_n3A_118 : i32
    }
    %scan3A_7 = arith.constant 31 : i32
    %gt3A = vector.broadcast %scan3A_6 : i32 to vector<1x8192xi32>
    %gt3A_8 = arith.cmpi sgt, %bitcast_convert_type3A, %gt3A : vector<1x8192xi32>
    %convert_element_type3A = arith.extui %gt3A_8 : vector<1x8192xi1> to vector<1x8192xi32>
    %reduce_sum3A = vector.shape_cast %convert_element_type3A : vector<1x8192xi32> to vector<1x1x8192xi32>
    %reduce_sum3A_9 = arith.constant dense<0> : vector<1xi32>
    %reduce_sum3A_10 = vector.multi_reduction <add>, %reduce_sum3A, %reduce_sum3A_9 [1, 2] : vector<1x1x8192xi32> to vector<1xi32>
    %reduce_sum3A_11 = vector.shape_cast %reduce_sum3A_10 : vector<1xi32> to vector<1x1x1xi32>
    %reduce_sum3A_12 = vector.extract %reduce_sum3A_11[0, 0, 0] : i32 from vector<1x1x1xi32>
    %sub3A = arith.constant 410 : i32
    %sub3A_13 = arith.subi %sub3A, %reduce_sum3A_12 : i32
    %eq3A = vector.broadcast %scan3A_6 : i32 to vector<1x8192xi32>
    %eq3A_14 = arith.cmpi eq, %bitcast_convert_type3A, %eq3A : vector<1x8192xi32>
    %iota3A = tpu.iota {dimensions = array<i32: 1>} : vector<1x8192xi32>
    %scan3A_15 = arith.constant 0 : i32
    %scan3A_16 = arith.constant 0 : i32
    %scan3A_17 = arith.constant 14 : i32
    %scan3A_18 = arith.addi %scan3A_16, %scan3A_17 : i32
    %scan3A_19 = arith.constant 1 : i32
    %scan3A_20 = scf.for %scan3A_103 = %scan3A_16 to %scan3A_18 step %scan3A_19 iter_args(%scan3A_104 = %scan3A_15) -> (i32)  : i32 {
      %sub3A_105 = arith.constant 13 : i32
      %sub3A_106 = arith.subi %sub3A_105, %scan3A_103 : i32
      %shift_left3A = arith.constant 1 : i32
      %shift_left3A_107 = arith.shli %shift_left3A, %sub3A_106 : i32
      %or3A_108 = arith.ori %scan3A_104, %shift_left3A_107 : i32
      %lt3A_109 = vector.broadcast %or3A_108 : i32 to vector<1x8192xi32>
      %lt3A_110 = arith.cmpi slt, %iota3A, %lt3A_109 : vector<1x8192xi32>
      %and3A_111 = arith.andi %eq3A_14, %lt3A_110 : vector<1x8192xi1>
      %convert_element_type3A_112 = arith.extui %and3A_111 : vector<1x8192xi1> to vector<1x8192xi32>
      %reduce_sum3A_113 = vector.shape_cast %convert_element_type3A_112 : vector<1x8192xi32> to vector<1x1x8192xi32>
      %reduce_sum3A_114 = arith.constant dense<0> : vector<1xi32>
      %reduce_sum3A_115 = vector.multi_reduction <add>, %reduce_sum3A_113, %reduce_sum3A_114 [1, 2] : vector<1x1x8192xi32> to vector<1xi32>
      %reduce_sum3A_116 = vector.shape_cast %reduce_sum3A_115 : vector<1xi32> to vector<1x1x1xi32>
      %reduce_sum3A_117 = vector.extract %reduce_sum3A_116[0, 0, 0] : i32 from vector<1x1x1xi32>
      %le3A = arith.constant 8192 : i32
      %le3A_118 = arith.cmpi sle, %or3A_108, %le3A : i32
      %le3A_119 = arith.cmpi sle, %reduce_sum3A_117, %sub3A_13 : i32
      %and3A_120 = arith.andi %le3A_118, %le3A_119 : i1
      %select_n3A_121 = arith.select %and3A_120, %or3A_108, %scan3A_104 : i32
      scf.yield %select_n3A_121 : i32
    }
    %scan3A_21 = arith.constant 14 : i32
    %gt3A_22 = vector.broadcast %scan3A_6 : i32 to vector<1x8192xi32>
    %gt3A_23 = arith.cmpi sgt, %bitcast_convert_type3A, %gt3A_22 : vector<1x8192xi32>
    %lt3A = vector.broadcast %scan3A_20 : i32 to vector<1x8192xi32>
    %lt3A_24 = arith.cmpi slt, %iota3A, %lt3A : vector<1x8192xi32>
    %and3A = arith.andi %eq3A_14, %lt3A_24 : vector<1x8192xi1>
    %or3A = arith.ori %gt3A_23, %and3A : vector<1x8192xi1>
    %jit3A = arith.constant 1.000000e+00 : f32
    %jit3A_25 = arith.constant 0.000000e+00 : f32
    %broadcast_in_dim3A = vector.broadcast %jit3A : f32 to vector<1x8192xf32>
    %broadcast_in_dim3A_26 = vector.broadcast %jit3A_25 : f32 to vector<1x8192xf32>
    %select_n3A = arith.select %or3A, %broadcast_in_dim3A, %broadcast_in_dim3A_26 : vector<1x8192xi1>, vector<1x8192xf32>
    %swap3A = arith.constant 0 : index
    %swap3A_27 = arith.constant 0 : index
    %swap3A_28 = vector.load %arg1[%swap3A, %swap3A_27] : memref<1x8192xf32, #tpu.memory_space<vmem>>, vector<1x8192xf32>
    tpu.vector_store %arg1[%swap3A, %swap3A_27], %select_n3A {strides = array<i32>} : memref<1x8192xf32, #tpu.memory_space<vmem>>, vector<1x8192xf32>,
    %get3A_29 = arith.constant 0 : index
    %get3A_30 = arith.constant 0 : index
    %get3A_31 = vector.load %arg1[%get3A_29, %get3A_30] : memref<1x8192xf32, #tpu.memory_space<vmem>>, vector<1x8192xf32>
    %broadcast_in_dim3A_32 = arith.constant 0.000000e+00 : f32
    %broadcast_in_dim3A_33 = vector.broadcast %broadcast_in_dim3A_32 : f32 to vector<1x1xf32>
    %slice3A = vector.extract_strided_slice %get3A_31 {offsets = [0, 0], sizes = [1, 8191], strides = [1, 1]} : vector<1x8192xf32> to vector<1x8191xf32>
    %concatenate3A = tpu.concatenate %broadcast_in_dim3A_33, %slice3A in 1 : vector<1x1xf32>, vector<1x8191xf32> -> vector<1x8192xf32>
    %add3A = arith.addf %get3A_31, %concatenate3A : vector<1x8192xf32>
    %broadcast_in_dim3A_34 = arith.constant 0.000000e+00 : f32
    %broadcast_in_dim3A_35 = vector.broadcast %broadcast_in_dim3A_34 : f32 to vector<1x2xf32>
    %slice3A_36 = vector.extract_strided_slice %add3A {offsets = [0, 0], sizes = [1, 8190], strides = [1, 1]} : vector<1x8192xf32> to vector<1x8190xf32>
    %concatenate3A_37 = tpu.concatenate %broadcast_in_dim3A_35, %slice3A_36 in 1 : vector<1x2xf32>, vector<1x8190xf32> -> vector<1x8192xf32>
    %add3A_38 = arith.addf %add3A, %concatenate3A_37 : vector<1x8192xf32>
    %broadcast_in_dim3A_39 = arith.constant 0.000000e+00 : f32
    %broadcast_in_dim3A_40 = vector.broadcast %broadcast_in_dim3A_39 : f32 to vector<1x4xf32>
    %slice3A_41 = vector.extract_strided_slice %add3A_38 {offsets = [0, 0], sizes = [1, 8188], strides = [1, 1]} : vector<1x8192xf32> to vector<1x8188xf32>
    %concatenate3A_42 = tpu.concatenate %broadcast_in_dim3A_40, %slice3A_41 in 1 : vector<1x4xf32>, vector<1x8188xf32> -> vector<1x8192xf32>
    %add3A_43 = arith.addf %add3A_38, %concatenate3A_42 : vector<1x8192xf32>
    %broadcast_in_dim3A_44 = arith.constant 0.000000e+00 : f32
    %broadcast_in_dim3A_45 = vector.broadcast %broadcast_in_dim3A_44 : f32 to vector<1x8xf32>
    %slice3A_46 = vector.extract_strided_slice %add3A_43 {offsets = [0, 0], sizes = [1, 8184], strides = [1, 1]} : vector<1x8192xf32> to vector<1x8184xf32>
    %concatenate3A_47 = tpu.concatenate %broadcast_in_dim3A_45, %slice3A_46 in 1 : vector<1x8xf32>, vector<1x8184xf32> -> vector<1x8192xf32>
    %add3A_48 = arith.addf %add3A_43, %concatenate3A_47 : vector<1x8192xf32>
    %broadcast_in_dim3A_49 = arith.constant 0.000000e+00 : f32
    %broadcast_in_dim3A_50 = vector.broadcast %broadcast_in_dim3A_49 : f32 to vector<1x16xf32>
    %slice3A_51 = vector.extract_strided_slice %add3A_48 {offsets = [0, 0], sizes = [1, 8176], strides = [1, 1]} : vector<1x8192xf32> to vector<1x8176xf32>
    %concatenate3A_52 = tpu.concatenate %broadcast_in_dim3A_50, %slice3A_51 in 1 : vector<1x16xf32>, vector<1x8176xf32> -> vector<1x8192xf32>
    %add3A_53 = arith.addf %add3A_48, %concatenate3A_52 : vector<1x8192xf32>
    %broadcast_in_dim3A_54 = arith.constant 0.000000e+00 : f32
    %broadcast_in_dim3A_55 = vector.broadcast %broadcast_in_dim3A_54 : f32 to vector<1x32xf32>
    %slice3A_56 = vector.extract_strided_slice %add3A_53 {offsets = [0, 0], sizes = [1, 8160], strides = [1, 1]} : vector<1x8192xf32> to vector<1x8160xf32>
    %concatenate3A_57 = tpu.concatenate %broadcast_in_dim3A_55, %slice3A_56 in 1 : vector<1x32xf32>, vector<1x8160xf32> -> vector<1x8192xf32>
    %add3A_58 = arith.addf %add3A_53, %concatenate3A_57 : vector<1x8192xf32>
    %broadcast_in_dim3A_59 = arith.constant 0.000000e+00 : f32
    %broadcast_in_dim3A_60 = vector.broadcast %broadcast_in_dim3A_59 : f32 to vector<1x64xf32>
    %slice3A_61 = vector.extract_strided_slice %add3A_58 {offsets = [0, 0], sizes = [1, 8128], strides = [1, 1]} : vector<1x8192xf32> to vector<1x8128xf32>
    %concatenate3A_62 = tpu.concatenate %broadcast_in_dim3A_60, %slice3A_61 in 1 : vector<1x64xf32>, vector<1x8128xf32> -> vector<1x8192xf32>
    %add3A_63 = arith.addf %add3A_58, %concatenate3A_62 : vector<1x8192xf32>
    %broadcast_in_dim3A_64 = arith.constant 0.000000e+00 : f32
    %broadcast_in_dim3A_65 = vector.broadcast %broadcast_in_dim3A_64 : f32 to vector<1x128xf32>
    %slice3A_66 = vector.extract_strided_slice %add3A_63 {offsets = [0, 0], sizes = [1, 8064], strides = [1, 1]} : vector<1x8192xf32> to vector<1x8064xf32>
    %concatenate3A_67 = tpu.concatenate %broadcast_in_dim3A_65, %slice3A_66 in 1 : vector<1x128xf32>, vector<1x8064xf32> -> vector<1x8192xf32>
    %add3A_68 = arith.addf %add3A_63, %concatenate3A_67 : vector<1x8192xf32>
    %broadcast_in_dim3A_69 = arith.constant 0.000000e+00 : f32
    %broadcast_in_dim3A_70 = vector.broadcast %broadcast_in_dim3A_69 : f32 to vector<1x256xf32>
    %slice3A_71 = vector.extract_strided_slice %add3A_68 {offsets = [0, 0], sizes = [1, 7936], strides = [1, 1]} : vector<1x8192xf32> to vector<1x7936xf32>
    %concatenate3A_72 = tpu.concatenate %broadcast_in_dim3A_70, %slice3A_71 in 1 : vector<1x256xf32>, vector<1x7936xf32> -> vector<1x8192xf32>
    %add3A_73 = arith.addf %add3A_68, %concatenate3A_72 : vector<1x8192xf32>
    %broadcast_in_dim3A_74 = arith.constant 0.000000e+00 : f32
    %broadcast_in_dim3A_75 = vector.broadcast %broadcast_in_dim3A_74 : f32 to vector<1x512xf32>
    %slice3A_76 = vector.extract_strided_slice %add3A_73 {offsets = [0, 0], sizes = [1, 7680], strides = [1, 1]} : vector<1x8192xf32> to vector<1x7680xf32>
    %concatenate3A_77 = tpu.concatenate %broadcast_in_dim3A_75, %slice3A_76 in 1 : vector<1x512xf32>, vector<1x7680xf32> -> vector<1x8192xf32>
    %add3A_78 = arith.addf %add3A_73, %concatenate3A_77 : vector<1x8192xf32>
    %broadcast_in_dim3A_79 = arith.constant 0.000000e+00 : f32
    %broadcast_in_dim3A_80 = vector.broadcast %broadcast_in_dim3A_79 : f32 to vector<1x1024xf32>
    %slice3A_81 = vector.extract_strided_slice %add3A_78 {offsets = [0, 0], sizes = [1, 7168], strides = [1, 1]} : vector<1x8192xf32> to vector<1x7168xf32>
    %concatenate3A_82 = tpu.concatenate %broadcast_in_dim3A_80, %slice3A_81 in 1 : vector<1x1024xf32>, vector<1x7168xf32> -> vector<1x8192xf32>
    %add3A_83 = arith.addf %add3A_78, %concatenate3A_82 : vector<1x8192xf32>
    %broadcast_in_dim3A_84 = arith.constant 0.000000e+00 : f32
    %broadcast_in_dim3A_85 = vector.broadcast %broadcast_in_dim3A_84 : f32 to vector<1x2048xf32>
    %slice3A_86 = vector.extract_strided_slice %add3A_83 {offsets = [0, 0], sizes = [1, 6144], strides = [1, 1]} : vector<1x8192xf32> to vector<1x6144xf32>
    %concatenate3A_87 = tpu.concatenate %broadcast_in_dim3A_85, %slice3A_86 in 1 : vector<1x2048xf32>, vector<1x6144xf32> -> vector<1x8192xf32>
    %add3A_88 = arith.addf %add3A_83, %concatenate3A_87 : vector<1x8192xf32>
    %broadcast_in_dim3A_89 = arith.constant 0.000000e+00 : f32
    %broadcast_in_dim3A_90 = vector.broadcast %broadcast_in_dim3A_89 : f32 to vector<1x4096xf32>
    %slice3A_91 = vector.extract_strided_slice %add3A_88 {offsets = [0, 0], sizes = [1, 4096], strides = [1, 1]} : vector<1x8192xf32> to vector<1x4096xf32>
    %concatenate3A_92 = tpu.concatenate %broadcast_in_dim3A_90, %slice3A_91 in 1 : vector<1x4096xf32>, vector<1x4096xf32> -> vector<1x8192xf32>
    %add3A_93 = arith.addf %add3A_88, %concatenate3A_92 : vector<1x8192xf32>
    %sub3A_94 = arith.constant 1.000000e+00 : f32
    %sub3A_95 = vector.broadcast %sub3A_94 : f32 to vector<1x8192xf32>
    %sub3A_96 = arith.subf %add3A_93, %sub3A_95 : vector<1x8192xf32>
    %jit3A_97 = arith.constant -1.000000e+00 : f32
    %broadcast_in_dim3A_98 = vector.broadcast %jit3A_97 : f32 to vector<1x8192xf32>
    %select_n3A_99 = arith.select %or3A, %sub3A_96, %broadcast_in_dim3A_98 : vector<1x8192xi1>, vector<1x8192xf32>
    %swap3A_100 = arith.constant 0 : index
    %swap3A_101 = arith.constant 0 : index
    %swap3A_102 = vector.load %arg2[%swap3A_100, %swap3A_101] : memref<1x8192xf32, #tpu.memory_space<vmem>>, vector<1x8192xf32>
    tpu.vector_store %arg2[%swap3A_100, %swap3A_101], %select_n3A_99 {strides = array<i32>} : memref<1x8192xf32, #tpu.memory_space<vmem>>, vector<1x8192xf32>,
    return
  }
}

module attributes {stable_mosaic.version = 14 : i64} {
  func.func @_build_kernel(%arg0: i32, %arg1: memref<1x1024xf32, #tpu.memory_space<vmem>>, %arg2: memref<1024x1024xf32, #tpu.memory_space<vmem>>, %arg3: memref<1x512xf32, #tpu.memory_space<vmem>>, %arg4: memref<1024x512xbf16, #tpu.memory_space<vmem>>, %arg5: memref<128x512xbf16, #tpu.memory_space<vmem>>, %arg6: memref<512x128xbf16, #tpu.memory_space<vmem>>, %arg7: memref<512x1024xf32, #tpu.memory_space<vmem>>, %arg8: memref<1x512xf32, #tpu.memory_space<vmem>>) attributes {dimension_semantics = [#tpu.dimension_semantics<arbitrary>], iteration_bounds = array<i64: 8>, scalar_prefetch = 0 : i64, scratch_operands = 2 : i64, tpu.core_type = #tpu.core_type<tc>, window_params = [{transform_indices = @transform_0, window_bounds = array<i64: 1, 1024>}, {transform_indices = @transform_1, window_bounds = array<i64: 1024, 1024>}, {pipeline_mode = #tpu.pipeline_mode<synchronous>, transform_indices = @transform_2, window_bounds = array<i64: 1, 512>}, {pipeline_mode = #tpu.pipeline_mode<synchronous>, transform_indices = @transform_3, window_bounds = array<i64: 1024, 512>}, {pipeline_mode = #tpu.pipeline_mode<synchronous>, transform_indices = @transform_4, window_bounds = array<i64: 128, 512>}, {pipeline_mode = #tpu.pipeline_mode<synchronous>, transform_indices = @transform_5, window_bounds = array<i64: 512, 128>}]} {
    %get3A = arith.constant 0 : index
    %get3A_0 = arith.constant 0 : index
    %get3A_1 = vector.load %arg1[%get3A, %get3A_0] : memref<1x1024xf32, #tpu.memory_space<vmem>>, vector<1x1024xf32>
    %iota3A = tpu.iota {dimensions = array<i32: 0>} : vector<512x1024xi32>
    %convert_element_type3A = arith.fptosi %get3A_1 : vector<1x1024xf32> to vector<1x1024xi32>
    %eq3A = vector.broadcast %convert_element_type3A : vector<1x1024xi32> to vector<512x1024xi32>
    %eq3A_2 = arith.cmpi eq, %iota3A, %eq3A : vector<512x1024xi32>
    %convert_element_type3A_3 = arith.extui %eq3A_2 : vector<512x1024xi1> to vector<512x1024xi32>
    %convert_element_type3A_4 = arith.sitofp %convert_element_type3A_3 : vector<512x1024xi32> to vector<512x1024xf32>
    %ge3A = arith.constant 0.000000e+00 : f32
    %ge3A_5 = vector.broadcast %ge3A : f32 to vector<1x1024xf32>
    %ge3A_6 = arith.cmpf oge, %get3A_1, %ge3A_5 : vector<1x1024xf32>
    %jit3A = arith.constant 0.000000e+00 : f32
    %broadcast_in_dim3A = vector.shape_cast %ge3A_6 : vector<1x1024xi1> to vector<1x1024xi1>
    %broadcast_in_dim3A_7 = vector.broadcast %broadcast_in_dim3A : vector<1x1024xi1> to vector<512x1024xi1>
    %broadcast_in_dim3A_8 = vector.broadcast %jit3A : f32 to vector<512x1024xf32>
    %select_n3A = arith.select %broadcast_in_dim3A_7, %convert_element_type3A_4, %broadcast_in_dim3A_8 : vector<512x1024xi1>, vector<512x1024xf32>
    %convert_element_type3A_9 = arith.truncf %select_n3A : vector<512x1024xf32> to vector<512x1024xbf16>
    %iota3A_10 = tpu.iota {dimensions = array<i32: 1>} : vector<1x1024xi32>
    %mul3A = arith.constant 1024 : i32
    %mul3A_11 = arith.muli %arg0, %mul3A : i32
    %add3A = vector.broadcast %mul3A_11 : i32 to vector<1x1024xi32>
    %add3A_12 = arith.addi %iota3A_10, %add3A : vector<1x1024xi32>
    %convert_element_type3A_13 = arith.sitofp %add3A_12 : vector<1x1024xi32> to vector<1x1024xf32>
    %convert_element_type3A_14 = arith.truncf %convert_element_type3A_13 : vector<1x1024xf32> to vector<1x1024xbf16>
    %convert_element_type3A_15 = arith.extf %convert_element_type3A_14 : vector<1x1024xbf16> to vector<1x1024xf32>
    %sub3A = arith.subf %convert_element_type3A_13, %convert_element_type3A_15 : vector<1x1024xf32>
    %convert_element_type3A_16 = arith.truncf %sub3A : vector<1x1024xf32> to vector<1x1024xbf16>
    %dot_general3A = arith.constant dense<0.000000e+00> : vector<1x512xf32>
    %dot_general3A_17 = tpu.matmul %convert_element_type3A_14, %convert_element_type3A_9, %dot_general3A {dimension_numbers = #tpu.dot_dimension_numbers<[1], [1], [0], [0], [0, 0, 1, 0], [], []>, transpose_lhs_hint = false} : vector<1x1024xbf16>, vector<512x1024xbf16>, vector<1x512xf32> -> vector<1x512xf32>
    %dot_general3A_18 = arith.constant dense<0.000000e+00> : vector<1x512xf32>
    %dot_general3A_19 = tpu.matmul %convert_element_type3A_16, %convert_element_type3A_9, %dot_general3A_18 {dimension_numbers = #tpu.dot_dimension_numbers<[1], [1], [0], [0], [0, 0, 1, 0], [], []>, transpose_lhs_hint = false} : vector<1x1024xbf16>, vector<512x1024xbf16>, vector<1x512xf32> -> vector<1x512xf32>
    %add3A_20 = arith.addf %dot_general3A_17, %dot_general3A_19 : vector<1x512xf32>
    %iota3A_21 = tpu.iota {dimensions = array<i32: 1>} : vector<1x1024xi32>
    %mul3A_22 = arith.constant 1024 : i32
    %mul3A_23 = arith.muli %arg0, %mul3A_22 : i32
    %add3A_24 = vector.broadcast %mul3A_23 : i32 to vector<1x1024xi32>
    %add3A_25 = arith.addi %iota3A_21, %add3A_24 : vector<1x1024xi32>
    %jit3A_26 = arith.constant 64 : i32
    %div3A = vector.broadcast %jit3A_26 : i32 to vector<1x1024xi32>
    %div3A_27 = arith.divsi %add3A_25, %div3A : vector<1x1024xi32>
    %sign3A = arith.constant 0 : i32
    %sign3A_28 = vector.broadcast %sign3A : i32 to vector<1x1024xi32>
    %sign3A_29 = arith.cmpi sgt, %add3A_25, %sign3A_28 : vector<1x1024xi32>
    %sign3A_30 = arith.extui %sign3A_29 : vector<1x1024xi1> to vector<1x1024xi32>
    %sign3A_31 = arith.constant 0 : i32
    %sign3A_32 = vector.broadcast %sign3A_31 : i32 to vector<1x1024xi32>
    %sign3A_33 = arith.cmpi slt, %add3A_25, %sign3A_32 : vector<1x1024xi32>
    %sign3A_34 = arith.extui %sign3A_33 : vector<1x1024xi1> to vector<1x1024xi32>
    %sign3A_35 = arith.subi %sign3A_30, %sign3A_34 : vector<1x1024xi32>
    %sign3A_36 = arith.constant 0 : i32
    %sign3A_37 = arith.cmpi sgt, %jit3A_26, %sign3A_36 : i32
    %sign3A_38 = arith.extui %sign3A_37 : i1 to i32
    %sign3A_39 = arith.constant 0 : i32
    %sign3A_40 = arith.cmpi slt, %jit3A_26, %sign3A_39 : i32
    %sign3A_41 = arith.extui %sign3A_40 : i1 to i32
    %sign3A_42 = arith.subi %sign3A_38, %sign3A_41 : i32
    %ne3A = vector.broadcast %sign3A_42 : i32 to vector<1x1024xi32>
    %ne3A_43 = arith.cmpi ne, %sign3A_35, %ne3A : vector<1x1024xi32>
    %rem3A = vector.broadcast %jit3A_26 : i32 to vector<1x1024xi32>
    %rem3A_44 = arith.remsi %add3A_25, %rem3A : vector<1x1024xi32>
    %ne3A_45 = arith.constant 0 : i32
    %ne3A_46 = vector.broadcast %ne3A_45 : i32 to vector<1x1024xi32>
    %ne3A_47 = arith.cmpi ne, %rem3A_44, %ne3A_46 : vector<1x1024xi32>
    %and3A = arith.andi %ne3A_43, %ne3A_47 : vector<1x1024xi1>
    %sub3A_48 = arith.constant 1 : i32
    %sub3A_49 = vector.broadcast %sub3A_48 : i32 to vector<1x1024xi32>
    %sub3A_50 = arith.subi %div3A_27, %sub3A_49 : vector<1x1024xi32>
    %select_n3A_51 = arith.select %and3A, %sub3A_50, %div3A_27 : vector<1x1024xi1>, vector<1x1024xi32>
    %convert_element_type3A_52 = arith.sitofp %select_n3A_51 : vector<1x1024xi32> to vector<1x1024xbf16>
    %dot_general3A_53 = arith.constant dense<0.000000e+00> : vector<1x512xf32>
    %dot_general3A_54 = tpu.matmul %convert_element_type3A_52, %convert_element_type3A_9, %dot_general3A_53 {dimension_numbers = #tpu.dot_dimension_numbers<[1], [1], [0], [0], [0, 0, 1, 0], [], []>, transpose_lhs_hint = false} : vector<1x1024xbf16>, vector<512x1024xbf16>, vector<1x512xf32> -> vector<1x512xf32>
    %get3A_55 = arith.constant 0 : index
    %get3A_56 = arith.constant 0 : index
    %get3A_57 = vector.load %arg2[%get3A_55, %get3A_56] : memref<1024x1024xf32, #tpu.memory_space<vmem>>, vector<1024x1024xf32>
    %convert_element_type3A_58 = arith.truncf %get3A_57 : vector<1024x1024xf32> to vector<1024x1024xbf16>
    %dot_general3A_59 = arith.constant dense<0.000000e+00> : vector<512x1024xf32>
    %dot_general3A_60 = tpu.matmul %convert_element_type3A_9, %convert_element_type3A_58, %dot_general3A_59 {dimension_numbers = #tpu.dot_dimension_numbers<[1], [0], [0], [1], [0, 0, 1, 1], [], []>, transpose_lhs_hint = false} : vector<512x1024xbf16>, vector<1024x1024xbf16>, vector<512x1024xf32> -> vector<512x1024xf32>
    %eq3A_61 = arith.constant 0 : i32
    %eq3A_62 = arith.cmpi eq, %arg0, %eq3A_61 : i32
    %convert_element_type3A_63 = arith.extui %eq3A_62 : i1 to i32
    %cond3A = arith.constant 0 : i32
    %cond3A_64 = arith.cmpi ne, %convert_element_type3A_63, %cond3A : i32
    scf.if %cond3A_64 {
      %swap3A = arith.constant 0 : index
      %swap3A_75 = arith.constant 0 : index
      %swap3A_76 = vector.load %arg8[%swap3A, %swap3A_75] : memref<1x512xf32, #tpu.memory_space<vmem>>, vector<1x512xf32>
      tpu.vector_store %arg8[%swap3A, %swap3A_75], %dot_general3A_54 {strides = array<i32>} : memref<1x512xf32, #tpu.memory_space<vmem>>, vector<1x512xf32>,
      %swap3A_77 = arith.constant 0 : index
      %swap3A_78 = arith.constant 0 : index
      %swap3A_79 = vector.load %arg3[%swap3A_77, %swap3A_78] : memref<1x512xf32, #tpu.memory_space<vmem>>, vector<1x512xf32>
      tpu.vector_store %arg3[%swap3A_77, %swap3A_78], %add3A_20 {strides = array<i32>} : memref<1x512xf32, #tpu.memory_space<vmem>>, vector<1x512xf32>,
      %swap3A_80 = arith.constant 0 : index
      %swap3A_81 = arith.constant 0 : index
      %swap3A_82 = vector.load %arg7[%swap3A_80, %swap3A_81] : memref<512x1024xf32, #tpu.memory_space<vmem>>, vector<512x1024xf32>
      tpu.vector_store %arg7[%swap3A_80, %swap3A_81], %dot_general3A_60 {strides = array<i32>} : memref<512x1024xf32, #tpu.memory_space<vmem>>, vector<512x1024xf32>,
    } else {
    }
    %ne3A_65 = arith.constant 0 : i32
    %ne3A_66 = arith.cmpi ne, %arg0, %ne3A_65 : i32
    %convert_element_type3A_67 = arith.extui %ne3A_66 : i1 to i32
    %cond3A_68 = arith.constant 0 : i32
    %cond3A_69 = arith.cmpi ne, %convert_element_type3A_67, %cond3A_68 : i32
    scf.if %cond3A_69 {
      %get3A_75 = arith.constant 0 : index
      %get3A_76 = arith.constant 0 : index
      %get3A_77 = vector.load %arg8[%get3A_75, %get3A_76] : memref<1x512xf32, #tpu.memory_space<vmem>>, vector<1x512xf32>
      %add3A_78 = arith.addf %get3A_77, %dot_general3A_54 : vector<1x512xf32>
      %swap3A = arith.constant 0 : index
      %swap3A_79 = arith.constant 0 : index
      %swap3A_80 = vector.load %arg8[%swap3A, %swap3A_79] : memref<1x512xf32, #tpu.memory_space<vmem>>, vector<1x512xf32>
      tpu.vector_store %arg8[%swap3A, %swap3A_79], %add3A_78 {strides = array<i32>} : memref<1x512xf32, #tpu.memory_space<vmem>>, vector<1x512xf32>,
      %get3A_81 = arith.constant 0 : index
      %get3A_82 = arith.constant 0 : index
      %get3A_83 = vector.load %arg3[%get3A_81, %get3A_82] : memref<1x512xf32, #tpu.memory_space<vmem>>, vector<1x512xf32>
      %add3A_84 = arith.addf %get3A_83, %add3A_20 : vector<1x512xf32>
      %swap3A_85 = arith.constant 0 : index
      %swap3A_86 = arith.constant 0 : index
      %swap3A_87 = vector.load %arg3[%swap3A_85, %swap3A_86] : memref<1x512xf32, #tpu.memory_space<vmem>>, vector<1x512xf32>
      tpu.vector_store %arg3[%swap3A_85, %swap3A_86], %add3A_84 {strides = array<i32>} : memref<1x512xf32, #tpu.memory_space<vmem>>, vector<1x512xf32>,
      %get3A_88 = arith.constant 0 : index
      %get3A_89 = arith.constant 0 : index
      %get3A_90 = vector.load %arg7[%get3A_88, %get3A_89] : memref<512x1024xf32, #tpu.memory_space<vmem>>, vector<512x1024xf32>
      %add3A_91 = arith.addf %get3A_90, %dot_general3A_60 : vector<512x1024xf32>
      %swap3A_92 = arith.constant 0 : index
      %swap3A_93 = arith.constant 0 : index
      %swap3A_94 = vector.load %arg7[%swap3A_92, %swap3A_93] : memref<512x1024xf32, #tpu.memory_space<vmem>>, vector<512x1024xf32>
      tpu.vector_store %arg7[%swap3A_92, %swap3A_93], %add3A_91 {strides = array<i32>} : memref<512x1024xf32, #tpu.memory_space<vmem>>, vector<512x1024xf32>,
    } else {
    }
    %eq3A_70 = arith.constant 7 : i32
    %eq3A_71 = arith.cmpi eq, %arg0, %eq3A_70 : i32
    %convert_element_type3A_72 = arith.extui %eq3A_71 : i1 to i32
    %cond3A_73 = arith.constant 0 : i32
    %cond3A_74 = arith.cmpi ne, %convert_element_type3A_72, %cond3A_73 : i32
    scf.if %cond3A_74 {
      %get3A_75 = arith.constant 0 : index
      %get3A_76 = arith.constant 0 : index
      %get3A_77 = vector.load %arg8[%get3A_75, %get3A_76] : memref<1x512xf32, #tpu.memory_space<vmem>>, vector<1x512xf32>
      %iota3A_78 = tpu.iota {dimensions = array<i32: 1>} : vector<128x512xi32>
      %iota3A_79 = tpu.iota {dimensions = array<i32: 0>} : vector<128x512xi32>
      %lt3A = arith.constant 410 : i32
      %lt3A_80 = vector.broadcast %lt3A : i32 to vector<128x512xi32>
      %lt3A_81 = arith.cmpi slt, %iota3A_78, %lt3A_80 : vector<128x512xi32>
      %convert_element_type3A_82 = arith.fptosi %get3A_77 : vector<1x512xf32> to vector<1x512xi32>
      %eq3A_83 = vector.broadcast %convert_element_type3A_82 : vector<1x512xi32> to vector<128x512xi32>
      %eq3A_84 = arith.cmpi eq, %iota3A_79, %eq3A_83 : vector<128x512xi32>
      %and3A_85 = arith.andi %eq3A_84, %lt3A_81 : vector<128x512xi1>
      %convert_element_type3A_86 = arith.extui %and3A_85 : vector<128x512xi1> to vector<128x512xi32>
      %convert_element_type3A_87 = arith.sitofp %convert_element_type3A_86 : vector<128x512xi32> to vector<128x512xf32>
      %convert_element_type3A_88 = arith.truncf %convert_element_type3A_87 : vector<128x512xf32> to vector<128x512xbf16>
      %swap3A = arith.constant 0 : index
      %swap3A_89 = arith.constant 0 : index
      %swap3A_90 = vector.load %arg5[%swap3A, %swap3A_89] : memref<128x512xbf16, #tpu.memory_space<vmem>>, vector<128x512xbf16>
      tpu.vector_store %arg5[%swap3A, %swap3A_89], %convert_element_type3A_88 {strides = array<i32>} : memref<128x512xbf16, #tpu.memory_space<vmem>>, vector<128x512xbf16>,
      %get3A_91 = arith.constant 0 : index
      %get3A_92 = arith.constant 0 : index
      %get3A_93 = vector.load %arg5[%get3A_91, %get3A_92] : memref<128x512xbf16, #tpu.memory_space<vmem>>, vector<128x512xbf16>
      %transpose3A = tpu.transpose %get3A_93, [1, 0] : vector<128x512xbf16> -> vector<512x128xbf16>
      %swap3A_94 = arith.constant 0 : index
      %swap3A_95 = arith.constant 0 : index
      %swap3A_96 = vector.load %arg6[%swap3A_94, %swap3A_95] : memref<512x128xbf16, #tpu.memory_space<vmem>>, vector<512x128xbf16>
      tpu.vector_store %arg6[%swap3A_94, %swap3A_95], %transpose3A {strides = array<i32>} : memref<512x128xbf16, #tpu.memory_space<vmem>>, vector<512x128xbf16>,
      %get3A_97 = arith.constant 0 : index
      %get3A_98 = arith.constant 0 : index
      %get3A_99 = vector.load %arg7[%get3A_97, %get3A_98] : memref<512x1024xf32, #tpu.memory_space<vmem>>, vector<512x1024xf32>
      %convert_element_type3A_100 = arith.truncf %get3A_99 : vector<512x1024xf32> to vector<512x1024xbf16>
      %transpose3A_101 = tpu.transpose %convert_element_type3A_100, [1, 0] : vector<512x1024xbf16> -> vector<1024x512xbf16>
      %swap3A_102 = arith.constant 0 : index
      %swap3A_103 = arith.constant 0 : index
      %swap3A_104 = vector.load %arg4[%swap3A_102, %swap3A_103] : memref<1024x512xbf16, #tpu.memory_space<vmem>>, vector<1024x512xbf16>
      tpu.vector_store %arg4[%swap3A_102, %swap3A_103], %transpose3A_101 {strides = array<i32>} : memref<1024x512xbf16, #tpu.memory_space<vmem>>, vector<1024x512xbf16>,
    } else {
    }
    return
  }
  func.func @transform_0(%arg0: i32) -> (i32, i32) {
    %c0_i32 = arith.constant 0 : i32
    %c0_i32_0 = arith.constant 0 : i32
    return %c0_i32, %arg0 : i32, i32
  }
  func.func @transform_1(%arg0: i32) -> (i32, i32) {
    %c0_i32 = arith.constant 0 : i32
    %c0_i32_0 = arith.constant 0 : i32
    return %arg0, %c0_i32 : i32, i32
  }
  func.func @transform_2(%arg0: i32) -> (i32, i32) {
    %c0_i32 = arith.constant 0 : i32
    %c0_i32_0 = arith.constant 0 : i32
    %c0_i32_1 = arith.constant 0 : i32
    return %c0_i32, %c0_i32_0 : i32, i32
  }
  func.func @transform_3(%arg0: i32) -> (i32, i32) {
    %c0_i32 = arith.constant 0 : i32
    %c0_i32_0 = arith.constant 0 : i32
    %c0_i32_1 = arith.constant 0 : i32
    return %c0_i32, %c0_i32_0 : i32, i32
  }
  func.func @transform_4(%arg0: i32) -> (i32, i32) {
    %c0_i32 = arith.constant 0 : i32
    %c0_i32_0 = arith.constant 0 : i32
    %c0_i32_1 = arith.constant 0 : i32
    return %c0_i32, %c0_i32_0 : i32, i32
  }
  func.func @transform_5(%arg0: i32) -> (i32, i32) {
    %c0_i32 = arith.constant 0 : i32
    %c0_i32_0 = arith.constant 0 : i32
    %c0_i32_1 = arith.constant 0 : i32
    return %c0_i32, %c0_i32_0 : i32, i32
  }
}

module attributes {stable_mosaic.version = 14 : i64} {
  func.func @_w4t_kernel(%arg0: memref<1024x784xf32, #tpu.memory_space<vmem>>, %arg1: memref<784x1024xbf16, #tpu.memory_space<vmem>>) attributes {dimension_semantics = [], scalar_prefetch = 0 : i64, scratch_operands = 0 : i64, tpu.core_type = #tpu.core_type<tc>} {
    %get3A = arith.constant 0 : index
    %get3A_0 = arith.constant 0 : index
    %get3A_1 = vector.load %arg0[%get3A, %get3A_0] : memref<1024x784xf32, #tpu.memory_space<vmem>>, vector<1024x784xf32>
    %convert_element_type3A = arith.truncf %get3A_1 : vector<1024x784xf32> to vector<1024x784xbf16>
    %transpose3A = tpu.transpose %convert_element_type3A, [1, 0] : vector<1024x784xbf16> -> vector<784x1024xbf16>
    %swap3A = arith.constant 0 : index
    %swap3A_2 = arith.constant 0 : index
    %swap3A_3 = vector.load %arg1[%swap3A, %swap3A_2] : memref<784x1024xbf16, #tpu.memory_space<vmem>>, vector<784x1024xbf16>
    tpu.vector_store %arg1[%swap3A, %swap3A_2], %transpose3A {strides = array<i32>} : memref<784x1024xbf16, #tpu.memory_space<vmem>>, vector<784x1024xbf16>,
    return
  }
}

module attributes {stable_mosaic.version = 14 : i64} {
  func.func @_dect_kernel(%arg0: i32, %arg1: memref<512x512xf32, #tpu.memory_space<vmem>>, %arg2: memref<128x512xbf16, #tpu.memory_space<vmem>>, %arg3: memref<512x128xbf16, #tpu.memory_space<vmem>>, %arg4: memref<1024x512xbf16, #tpu.memory_space<vmem>>, %arg5: memref<1024x1xf32, #tpu.memory_space<vmem>>, %arg6: memref<784x1024xbf16, #tpu.memory_space<vmem>>, %arg7: memref<784x1xf32, #tpu.memory_space<vmem>>, %arg8: memref<512x784xf32, #tpu.memory_space<vmem>>) attributes {dimension_semantics = [#tpu.dimension_semantics<arbitrary>], iteration_bounds = array<i64: 8>, scalar_prefetch = 0 : i64, scratch_operands = 0 : i64, tpu.core_type = #tpu.core_type<tc>, window_params = [{transform_indices = @transform_0, window_bounds = array<i64: 512, 512>}, {pipeline_mode = #tpu.pipeline_mode<synchronous>, transform_indices = @transform_1, window_bounds = array<i64: 128, 512>}, {pipeline_mode = #tpu.pipeline_mode<synchronous>, transform_indices = @transform_2, window_bounds = array<i64: 512, 128>}, {pipeline_mode = #tpu.pipeline_mode<synchronous>, transform_indices = @transform_3, window_bounds = array<i64: 1024, 512>}, {pipeline_mode = #tpu.pipeline_mode<synchronous>, transform_indices = @transform_4, window_bounds = array<i64: 1024, 1>}, {pipeline_mode = #tpu.pipeline_mode<synchronous>, transform_indices = @transform_5, window_bounds = array<i64: 784, 1024>}, {pipeline_mode = #tpu.pipeline_mode<synchronous>, transform_indices = @transform_6, window_bounds = array<i64: 784, 1>}, {transform_indices = @transform_7, window_bounds = array<i64: 512, 784>}]} {
    %get3A = arith.constant 0 : index
    %get3A_0 = arith.constant 0 : index
    %get3A_1 = vector.load %arg1[%get3A, %get3A_0] : memref<512x512xf32, #tpu.memory_space<vmem>>, vector<512x512xf32>
    %convert_element_type3A = arith.truncf %get3A_1 : vector<512x512xf32> to vector<512x512xbf16>
    %convert_element_type3A_2 = arith.extf %convert_element_type3A : vector<512x512xbf16> to vector<512x512xf32>
    %sub3A = arith.subf %get3A_1, %convert_element_type3A_2 : vector<512x512xf32>
    %convert_element_type3A_3 = arith.truncf %sub3A : vector<512x512xf32> to vector<512x512xbf16>
    %get3A_4 = arith.constant 0 : index
    %get3A_5 = arith.constant 0 : index
    %get3A_6 = vector.load %arg2[%get3A_4, %get3A_5] : memref<128x512xbf16, #tpu.memory_space<vmem>>, vector<128x512xbf16>
    %dot_general3A = arith.constant dense<0.000000e+00> : vector<128x512xf32>
    %dot_general3A_7 = tpu.matmul %get3A_6, %convert_element_type3A, %dot_general3A {dimension_numbers = #tpu.dot_dimension_numbers<[1], [0], [0], [1], [0, 0, 1, 1], [], []>, transpose_lhs_hint = false} : vector<128x512xbf16>, vector<512x512xbf16>, vector<128x512xf32> -> vector<128x512xf32>
    %dot_general3A_8 = arith.constant dense<0.000000e+00> : vector<128x512xf32>
    %dot_general3A_9 = tpu.matmul %get3A_6, %convert_element_type3A_3, %dot_general3A_8 {dimension_numbers = #tpu.dot_dimension_numbers<[1], [0], [0], [1], [0, 0, 1, 1], [], []>, transpose_lhs_hint = false} : vector<128x512xbf16>, vector<512x512xbf16>, vector<128x512xf32> -> vector<128x512xf32>
    %add3A = arith.addf %dot_general3A_7, %dot_general3A_9 : vector<128x512xf32>
    %bitcast_convert_type3A = tpu.bitcast %add3A : vector<128x512xf32> -> vector<128x512xi32>
    %broadcast_in_dim3A = arith.constant 0 : i32
    %broadcast_in_dim3A_10 = vector.broadcast %broadcast_in_dim3A : i32 to vector<1x512xi32>
    %scan3A = arith.constant 0 : i32
    %scan3A_11 = arith.constant 31 : i32
    %scan3A_12 = arith.addi %scan3A, %scan3A_11 : i32
    %scan3A_13 = arith.constant 1 : i32
    %scan3A_14 = scf.for %scan3A_73 = %scan3A to %scan3A_12 step %scan3A_13 iter_args(%scan3A_74 = %broadcast_in_dim3A_10) -> (vector<1x512xi32>)  : i32 {
      %sub3A_75 = arith.constant 30 : i32
      %sub3A_76 = arith.subi %sub3A_75, %scan3A_73 : i32
      %shift_left3A = arith.constant 1 : i32
      %shift_left3A_77 = arith.shli %shift_left3A, %sub3A_76 : i32
      %or3A_78 = vector.broadcast %shift_left3A_77 : i32 to vector<1x512xi32>
      %or3A_79 = arith.ori %scan3A_74, %or3A_78 : vector<1x512xi32>
      %ge3A = vector.broadcast %or3A_79 : vector<1x512xi32> to vector<128x512xi32>
      %ge3A_80 = arith.cmpi sge, %bitcast_convert_type3A, %ge3A : vector<128x512xi32>
      %convert_element_type3A_81 = arith.extui %ge3A_80 : vector<128x512xi1> to vector<128x512xi32>
      %reduce_sum3A_82 = arith.constant dense<0> : vector<512xi32>
      %reduce_sum3A_83 = vector.multi_reduction <add>, %convert_element_type3A_81, %reduce_sum3A_82 [0] : vector<128x512xi32> to vector<512xi32>
      %broadcast_in_dim3A_84 = vector.shape_cast %reduce_sum3A_83 : vector<512xi32> to vector<1x512xi32>
      %ge3A_85 = arith.constant 16 : i32
      %ge3A_86 = vector.broadcast %ge3A_85 : i32 to vector<1x512xi32>
      %ge3A_87 = arith.cmpi sge, %broadcast_in_dim3A_84, %ge3A_86 : vector<1x512xi32>
      %select_n3A = arith.select %ge3A_87, %or3A_79, %scan3A_74 : vector<1x512xi1>, vector<1x512xi32>
      scf.yield %select_n3A : vector<1x512xi32>
    }
    %scan3A_15 = arith.constant 31 : i32
    %gt3A = vector.broadcast %scan3A_14 : vector<1x512xi32> to vector<128x512xi32>
    %gt3A_16 = arith.cmpi sgt, %bitcast_convert_type3A, %gt3A : vector<128x512xi32>
    %convert_element_type3A_17 = arith.extui %gt3A_16 : vector<128x512xi1> to vector<128x512xi32>
    %reduce_sum3A = arith.constant dense<0> : vector<512xi32>
    %reduce_sum3A_18 = vector.multi_reduction <add>, %convert_element_type3A_17, %reduce_sum3A [0] : vector<128x512xi32> to vector<512xi32>
    %broadcast_in_dim3A_19 = vector.shape_cast %reduce_sum3A_18 : vector<512xi32> to vector<1x512xi32>
    %sub3A_20 = arith.constant 16 : i32
    %sub3A_21 = vector.broadcast %sub3A_20 : i32 to vector<1x512xi32>
    %sub3A_22 = arith.subi %sub3A_21, %broadcast_in_dim3A_19 : vector<1x512xi32>
    %eq3A = vector.broadcast %scan3A_14 : vector<1x512xi32> to vector<128x512xi32>
    %eq3A_23 = arith.cmpi eq, %bitcast_convert_type3A, %eq3A : vector<128x512xi32>
    %iota3A = tpu.iota {dimensions = array<i32: 0>} : vector<128x1xi32>
    %broadcast_in_dim3A_24 = arith.constant 0 : i32
    %broadcast_in_dim3A_25 = vector.broadcast %broadcast_in_dim3A_24 : i32 to vector<1x512xi32>
    %scan3A_26 = arith.constant 0 : i32
    %scan3A_27 = arith.constant 8 : i32
    %scan3A_28 = arith.addi %scan3A_26, %scan3A_27 : i32
    %scan3A_29 = arith.constant 1 : i32
    %scan3A_30 = scf.for %scan3A_73 = %scan3A_26 to %scan3A_28 step %scan3A_29 iter_args(%scan3A_74 = %broadcast_in_dim3A_25) -> (vector<1x512xi32>)  : i32 {
      %sub3A_75 = arith.constant 7 : i32
      %sub3A_76 = arith.subi %sub3A_75, %scan3A_73 : i32
      %shift_left3A = arith.constant 1 : i32
      %shift_left3A_77 = arith.shli %shift_left3A, %sub3A_76 : i32
      %or3A_78 = vector.broadcast %shift_left3A_77 : i32 to vector<1x512xi32>
      %or3A_79 = arith.ori %scan3A_74, %or3A_78 : vector<1x512xi32>
      %lt3A_80 = vector.broadcast %iota3A : vector<128x1xi32> to vector<128x512xi32>
      %lt3A_81 = vector.broadcast %or3A_79 : vector<1x512xi32> to vector<128x512xi32>
      %lt3A_82 = arith.cmpi slt, %lt3A_80, %lt3A_81 : vector<128x512xi32>
      %and3A_83 = arith.andi %eq3A_23, %lt3A_82 : vector<128x512xi1>
      %convert_element_type3A_84 = arith.extui %and3A_83 : vector<128x512xi1> to vector<128x512xi32>
      %reduce_sum3A_85 = arith.constant dense<0> : vector<512xi32>
      %reduce_sum3A_86 = vector.multi_reduction <add>, %convert_element_type3A_84, %reduce_sum3A_85 [0] : vector<128x512xi32> to vector<512xi32>
      %broadcast_in_dim3A_87 = vector.shape_cast %reduce_sum3A_86 : vector<512xi32> to vector<1x512xi32>
      %le3A = arith.constant 128 : i32
      %le3A_88 = vector.broadcast %le3A : i32 to vector<1x512xi32>
      %le3A_89 = arith.cmpi sle, %or3A_79, %le3A_88 : vector<1x512xi32>
      %le3A_90 = arith.cmpi sle, %broadcast_in_dim3A_87, %sub3A_22 : vector<1x512xi32>
      %and3A_91 = arith.andi %le3A_89, %le3A_90 : vector<1x512xi1>
      %select_n3A = arith.select %and3A_91, %or3A_79, %scan3A_74 : vector<1x512xi1>, vector<1x512xi32>
      scf.yield %select_n3A : vector<1x512xi32>
    }
    %scan3A_31 = arith.constant 8 : i32
    %gt3A_32 = vector.broadcast %scan3A_14 : vector<1x512xi32> to vector<128x512xi32>
    %gt3A_33 = arith.cmpi sgt, %bitcast_convert_type3A, %gt3A_32 : vector<128x512xi32>
    %lt3A = vector.broadcast %iota3A : vector<128x1xi32> to vector<128x512xi32>
    %lt3A_34 = vector.broadcast %scan3A_30 : vector<1x512xi32> to vector<128x512xi32>
    %lt3A_35 = arith.cmpi slt, %lt3A, %lt3A_34 : vector<128x512xi32>
    %and3A = arith.andi %eq3A_23, %lt3A_35 : vector<128x512xi1>
    %or3A = arith.ori %gt3A_33, %and3A : vector<128x512xi1>
    %convert_element_type3A_36 = arith.extui %or3A : vector<128x512xi1> to vector<128x512xi32>
    %convert_element_type3A_37 = arith.sitofp %convert_element_type3A_36 : vector<128x512xi32> to vector<128x512xf32>
    %convert_element_type3A_38 = arith.truncf %convert_element_type3A_37 : vector<128x512xf32> to vector<128x512xbf16>
    %get3A_39 = arith.constant 0 : index
    %get3A_40 = arith.constant 0 : index
    %get3A_41 = vector.load %arg3[%get3A_39, %get3A_40] : memref<512x128xbf16, #tpu.memory_space<vmem>>, vector<512x128xbf16>
    %dot_general3A_42 = arith.constant dense<0.000000e+00> : vector<512x512xf32>
    %dot_general3A_43 = tpu.matmul %get3A_41, %convert_element_type3A_38, %dot_general3A_42 {dimension_numbers = #tpu.dot_dimension_numbers<[1], [0], [0], [1], [0, 0, 1, 1], [], []>, transpose_lhs_hint = false} : vector<512x128xbf16>, vector<128x512xbf16>, vector<512x512xf32> -> vector<512x512xf32>
    %convert_element_type3A_44 = arith.truncf %dot_general3A_43 : vector<512x512xf32> to vector<512x512xbf16>
    %mul3A = arith.mulf %convert_element_type3A, %convert_element_type3A_44 : vector<512x512xbf16>
    %get3A_45 = arith.constant 0 : index
    %get3A_46 = arith.constant 0 : index
    %get3A_47 = vector.load %arg4[%get3A_45, %get3A_46] : memref<1024x512xbf16, #tpu.memory_space<vmem>>, vector<1024x512xbf16>
    %dot_general3A_48 = arith.constant dense<0.000000e+00> : vector<1024x512xf32>
    %dot_general3A_49 = tpu.matmul %get3A_47, %mul3A, %dot_general3A_48 {dimension_numbers = #tpu.dot_dimension_numbers<[1], [0], [0], [1], [0, 0, 1, 1], [], []>, transpose_lhs_hint = false} : vector<1024x512xbf16>, vector<512x512xbf16>, vector<1024x512xf32> -> vector<1024x512xf32>
    %get3A_50 = arith.constant 0 : index
    %get3A_51 = arith.constant 0 : index
    %get3A_52 = vector.load %arg5[%get3A_50, %get3A_51] : memref<1024x1xf32, #tpu.memory_space<vmem>>, vector<1024x1xf32>
    %add3A_53 = vector.broadcast %get3A_52 : vector<1024x1xf32> to vector<1024x512xf32>
    %add3A_54 = arith.addf %dot_general3A_49, %add3A_53 : vector<1024x512xf32>
    %max3A = arith.constant 0.000000e+00 : f32
    %max3A_55 = vector.broadcast %max3A : f32 to vector<1024x512xf32>
    %max3A_56 = arith.maximumf %add3A_54, %max3A_55 : vector<1024x512xf32>
    %get3A_57 = arith.constant 0 : index
    %get3A_58 = arith.constant 0 : index
    %get3A_59 = vector.load %arg6[%get3A_57, %get3A_58] : memref<784x1024xbf16, #tpu.memory_space<vmem>>, vector<784x1024xbf16>
    %convert_element_type3A_60 = arith.truncf %max3A_56 : vector<1024x512xf32> to vector<1024x512xbf16>
    %dot_general3A_61 = arith.constant dense<0.000000e+00> : vector<784x512xf32>
    %dot_general3A_62 = tpu.matmul %get3A_59, %convert_element_type3A_60, %dot_general3A_61 {dimension_numbers = #tpu.dot_dimension_numbers<[1], [0], [0], [1], [0, 0, 1, 1], [], []>, transpose_lhs_hint = false} : vector<784x1024xbf16>, vector<1024x512xbf16>, vector<784x512xf32> -> vector<784x512xf32>
    %get3A_63 = arith.constant 0 : index
    %get3A_64 = arith.constant 0 : index
    %get3A_65 = vector.load %arg7[%get3A_63, %get3A_64] : memref<784x1xf32, #tpu.memory_space<vmem>>, vector<784x1xf32>
    %add3A_66 = vector.broadcast %get3A_65 : vector<784x1xf32> to vector<784x512xf32>
    %add3A_67 = arith.addf %dot_general3A_62, %add3A_66 : vector<784x512xf32>
    %max3A_68 = arith.constant 0.000000e+00 : f32
    %max3A_69 = vector.broadcast %max3A_68 : f32 to vector<784x512xf32>
    %max3A_70 = arith.maximumf %add3A_67, %max3A_69 : vector<784x512xf32>
    %transpose3A = tpu.transpose %max3A_70, [1, 0] : vector<784x512xf32> -> vector<512x784xf32>
    %swap3A = arith.constant 0 : index
    %swap3A_71 = arith.constant 0 : index
    %swap3A_72 = vector.load %arg8[%swap3A, %swap3A_71] : memref<512x784xf32, #tpu.memory_space<vmem>>, vector<512x784xf32>
    tpu.vector_store %arg8[%swap3A, %swap3A_71], %transpose3A {strides = array<i32>} : memref<512x784xf32, #tpu.memory_space<vmem>>, vector<512x784xf32>,
    return
  }
  func.func @transform_0(%arg0: i32) -> (i32, i32) {
    %c0_i32 = arith.constant 0 : i32
    %c0_i32_0 = arith.constant 0 : i32
    return %c0_i32, %arg0 : i32, i32
  }
  func.func @transform_1(%arg0: i32) -> (i32, i32) {
    %c0_i32 = arith.constant 0 : i32
    %c0_i32_0 = arith.constant 0 : i32
    %c0_i32_1 = arith.constant 0 : i32
    return %c0_i32, %c0_i32_0 : i32, i32
  }
  func.func @transform_2(%arg0: i32) -> (i32, i32) {
    %c0_i32 = arith.constant 0 : i32
    %c0_i32_0 = arith.constant 0 : i32
    %c0_i32_1 = arith.constant 0 : i32
    return %c0_i32, %c0_i32_0 : i32, i32
  }
  func.func @transform_3(%arg0: i32) -> (i32, i32) {
    %c0_i32 = arith.constant 0 : i32
    %c0_i32_0 = arith.constant 0 : i32
    %c0_i32_1 = arith.constant 0 : i32
    return %c0_i32, %c0_i32_0 : i32, i32
  }
  func.func @transform_4(%arg0: i32) -> (i32, i32) {
    %c0_i32 = arith.constant 0 : i32
    %c0_i32_0 = arith.constant 0 : i32
    %c0_i32_1 = arith.constant 0 : i32
    return %c0_i32, %c0_i32_0 : i32, i32
  }
  func.func @transform_5(%arg0: i32) -> (i32, i32) {
    %c0_i32 = arith.constant 0 : i32
    %c0_i32_0 = arith.constant 0 : i32
    %c0_i32_1 = arith.constant 0 : i32
    return %c0_i32, %c0_i32_0 : i32, i32
  }
  func.func @transform_6(%arg0: i32) -> (i32, i32) {
    %c0_i32 = arith.constant 0 : i32
    %c0_i32_0 = arith.constant 0 : i32
    %c0_i32_1 = arith.constant 0 : i32
    return %c0_i32, %c0_i32_0 : i32, i32
  }
  func.func @transform_7(%arg0: i32) -> (i32, i32) {
    %c0_i32 = arith.constant 0 : i32
    %c0_i32_0 = arith.constant 0 : i32
    return %arg0, %c0_i32 : i32, i32
  }
}

</mosaic_0001>

<sc_bundles>
// kernel: kernel.9.cloned.1.call-start
scs
__scs_entry_jumppad:
0x0: {  	(pc) =	sbr.rel $0x88, $3  }
0x1: {  	(tag) =	ssettag $0x0;
	lr =	simm.s32 $0x1  }
0x2: {  	[smem:$0x3F98] =	sst lr;
	_ =	strace $0xD0000000  }
0x3: {  	_ = 	snop  }
0x4: {  	_ = 	snop  }
0x5: {  	_ = 	snop  }
0x6: {  	_ = 	snop  }
0x7: {  	_ = 	snop  }
__scs_overlays_trampoline_lowered:
0x8: {  	[smem:$0x3FA7] =	sst s0  }
0x9: {  	[smem:$0x3FA8] =	sst s1  }
0xa: {  	[smem:$0x3FA9] =	sst s2  }
0xb: {  	[smem:$0x3FAA] =	sst s3  }
0xc: {  	[smem:$0x3FAB] =	sst s4  }
0xd: {  	[smem:$0x3FAC] =	sst s5  }
0xe: {  	[smem:$0x3FAD] =	sst s6  }
0xf: {  	[smem:$0x3FAE] =	sst s7  }
0x10: {  	[smem:$0x3FAF] =	sst s8  }
0x11: {  	[smem:$0x3FB0] =	sst s9;
	s0 =	simm.s32 @!p0 $0x0  }
0x12: {  	s1 =	sld [smem:$0x3F96];
	s0 =	simm.s32 @p0 $0x1  }
0x13: {  	[smem:$0x3FB1] =	sst s0;
	s0 =	simm.s32 @!p1 $0x0  }
0x14: {  	s2 =	sld [smem:$0x3F95];
	s0 =	simm.s32 @p1 $0x1  }
0x15: {  	[smem:$0x3FB2] =	sst s0;
	s0 =	simm.s32 @!p2 $0x0  }
0x16: {  	s3 =	sld [smem:$0x3FDB];
	s0 =	simm.s32 @p2 $0x1  }
0x17: {  	s4 =	simm.s32 $0x1BF5;
	[smem:$0x3FB4] =	sst s0  }
0x18: {  	s0 =	sld [smem:$0x3F97];
	_ =	swait.ge [sflag:s4], $0x0  }
0x19: {  	s7 =	sld [smem:$0x3F98]  }
0x1a: {  	s8 =	sadd.s32 $0xFFFFE003, lr  }
0x1b: {  	s9 =	sadd.s32 $0xFFFFFEF7, lr;
	s5 =	simm.s32 $0xFFFFFFFF;
	p2 =	slt.u32 s8, $0xFFFFF086  }
0x1c: {  	p1 =	slt.u32 s9, $0xF7A;
	s5 =	simm.s32 @!p2 $0x0  }
0x1d: {  	s5 =	simm.s32 @p1 $0x1;
	p0 =	seq.s32 s7, s2  }
0x1e: {  	s7 =	smul.u32 @!p0 $0xF7A, s2;
	p2 =	seq.s32 @!p0 s5, $0x0  }
0x1f: {  	s9 =	smul.u32 $0xF7A, s1;
	s8 =	simm.s32 @!p0 $0x1BF5;
	p2 =	por !p2, p0  }
0x20: {  	[sflag:s8] =	ssyncset.s32 @!p0 $0xFFFFF086;
	s6 =	sadd.s32 @!p0 s3, s7;
	s7 =	simm.s32 @!p0 $0x108  }
0x21: {  	s3 =	sadd.s32 s3, s9;
	s6 =	sadd.s32 @!p0 $0x88, s6;
	s7 =	simm.s32 @p2 $0x1082  }
0x22: {  	[simem:s7], [sflag:s8] =	dma.local @!p0 [hbm:s6], $0xF7A  }
0x23: {  	s9 =	sor.u32 $0xD0000000, s2;
	s6 =	simm.s32 $0x108;
	_ =	swait.ge @!p0 [sflag:s8], $0x0  }
0x24: {  	s3 =	sadd.s32 $0x88, s3;
	s6 =	simm.s32 @!p1 $0x1082;
	[sflag:s4] =	ssyncset.s32 $0xFFFFF086  }
0x25: {  	[simem:s6], [sflag:s4] =	dma.local [hbm:s3], $0xF7A  }
0x26: {  	[smem:$0x3F98] =	sst s1;
	(tag) =	ssettag s2;
	_ =	strace s9  }
0x27: {  	s1 =	sld [smem:$0x3FA8]  }
0x28: {  	s2 =	sld [smem:$0x3FA9]  }
0x29: {  	s4 =	sld [smem:$0x3FAB]  }
0x2a: {  	p0 =	seq.s32 s5, $0x0;
	s5 =	sld [smem:$0x3FAC]  }
0x2b: {  	s6 =	sld [smem:$0x3FAD]  }
0x2c: {  	s7 =	sld [smem:$0x3FAE]  }
0x2d: {  	s3 =	simm.s32 $0x108;
	s8 =	sld [smem:$0x3FAF]  }
0x2e: {  	s3 =	simm.s32 @!p0 $0x1082;
	s9 =	sld [smem:$0x3FB0]  }
0x2f: {  	lr =	sadd.s32 s0, s3;
	s0 =	sld [smem:$0x3FA7]  }
0x30: {  	s3 =	sld [smem:$0x3FAA]  }
0x31: {  	[smem:$0x3FB3] =	sst s10  }
0x32: {  	s10 =	sld [smem:$0x3FB1];
	_ =	sdelay $0x3  }
0x33: {  	p0 =	seq.s32 s10, $0x1;
	s10 =	sld [smem:$0x3FB3];
	_ =	sdelay $0x3  }
0x34: {  	[smem:$0x3FB3] =	sst s10  }
0x35: {  	s10 =	sld [smem:$0x3FB2];
	_ =	sdelay $0x3  }
0x36: {  	p1 =	seq.s32 s10, $0x1;
	s10 =	sld [smem:$0x3FB3];
	_ =	sdelay $0x3  }
0x37: {  	[smem:$0x3FB3] =	sst s10  }
0x38: {  	s10 =	sld [smem:$0x3FB4]  }
0x39: {  	_ = 	snop;
	(pc) =	sbr.ind lr, $3  }
0x3a: {  	_ = 	snop  }
0x3b: {  	_ = 	snop  }
0x3c: {  	p2 =	seq.s32 s10, $0x1;
	s10 =	sld [smem:$0x3FB3]  }
0x3d: {  	_ =	shalt  }
0x3e: {  	_ =	shalt  }
0x3f: {  	_ =	shalt  }
0x40: {  	_ =	shalt  }
0x41: {  	_ =	shalt  }
0x42: {  	_ =	shalt  }
0x43: {  	_ =	shalt  }
0x44: {  	_ =	shalt  }
0x45: {  	_ =	shalt  }
0x46: {  	_ =	shalt  }
0x47: {  	_ =	shalt  }
0x48: {  	_ =	shalt  }
0x49: {  	_ =	shalt  }
0x4a: {  	_ =	shalt  }
0x4b: {  	_ =	shalt  }
0x4c: {  	_ =	shalt  }
0x4d: {  	_ =	shalt  }
0x4e: {  	_ =	shalt  }
0x4f: {  	_ =	shalt  }
0x50: {  	_ =	shalt  }
0x51: {  	_ =	shalt  }
0x52: {  	_ =	shalt  }
0x53: {  	_ =	shalt  }
0x54: {  	_ =	shalt  }
0x55: {  	_ =	shalt  }
0x56: {  	_ =	shalt  }
0x57: {  	_ =	shalt  }
0x58: {  	_ =	shalt  }
0x59: {  	_ =	shalt  }
0x5a: {  	_ =	shalt  }
0x5b: {  	_ =	shalt  }
0x5c: {  	_ =	shalt  }
0x5d: {  	_ =	shalt  }
0x5e: {  	_ =	shalt  }
0x5f: {  	_ =	shalt  }
0x60: {  	_ =	shalt  }
0x61: {  	_ =	shalt  }
0x62: {  	_ =	shalt  }
0x63: {  	_ =	shalt  }
0x64: {  	_ =	shalt  }
0x65: {  	_ =	shalt  }
0x66: {  	_ =	shalt  }
0x67: {  	_ =	shalt  }
0x68: {  	_ =	shalt  }
0x69: {  	_ =	shalt  }
0x6a: {  	_ =	shalt  }
0x6b: {  	_ =	shalt  }
0x6c: {  	_ =	shalt  }
0x6d: {  	_ =	shalt  }
0x6e: {  	_ =	shalt  }
0x6f: {  	_ =	shalt  }
0x70: {  	_ =	shalt  }
0x71: {  	_ =	shalt  }
0x72: {  	_ =	shalt  }
0x73: {  	_ =	shalt  }
0x74: {  	_ =	shalt  }
0x75: {  	_ =	shalt  }
0x76: {  	_ =	shalt  }
0x77: {  	_ =	shalt  }
0x78: {  	_ =	shalt  }
0x79: {  	_ =	shalt  }
0x7a: {  	_ =	shalt  }
0x7b: {  	_ =	shalt  }
0x7c: {  	_ =	shalt  }
0x7d: {  	_ =	shalt  }
0x7e: {  	_ =	shalt  }
0x7f: {  	_ =	shalt  }
0x80: {  	_ =	shalt  }
0x81: {  	_ =	shalt  }
0x82: {  	_ =	shalt  }
0x83: {  	_ =	shalt  }
0x84: {  	_ =	shalt  }
0x85: {  	_ =	shalt  }
0x86: {  	_ =	shalt  }
0x87: {  	_ =	shalt  }
.Lfunc_end0:
.L_simem_size_0:
called_computation_lowered:
.L_overlay_start_0:
0x88: {  	s2 =	sld [smem:$0x3FD9]  }
0x89: {  	s3 =	sld [smem:$0x3FFE];
	_ =	sdelay $0x1  }
0x8a: {  	s1 =	srdreg.scid  }
0x8b: {  	s0 =	sand.u32 $0x1, s1  }
0x8c: {  	s17 =	sshll.u32 s0, $0xA;
	s2 =	sadd.s32 s3, s2  }
0x8d: {  	s2 =	sadd.s32 s2, s17  }
0x8e: {  	[smem:$0x3FBF] =	sst s2  }
0x8f: {  	_ = 	snop  }
0x90: {  	s2 =	sld [smem:$0x3FD0];
	(tm) =	ssettm $0x1  }
0x91: {  	s18 =	sld [smem:$0x3FFB];
	_ =	sdelay $0x3  }
0x92: {  	_ =	strace s18  }
0x93: {  	s3 =	sld [smem:$0x3FFC];
	_ =	sdelay $0x3  }
0x94: {  	_ =	strace s3  }
0x95: {  	s3 =	sld [smem:$0x3FFD];
	_ =	sdelay $0x3  }
0x96: {  	_ =	strace s3  }
0x97: {  	_ =	strace $0x8FFFFFFF  }
0x98: {  	s19 =	sld [smem:$0x3FDB];
	_ =	sdelay $0x1  }
0x99: {  	s4 =	simm.s32 $_scs_section_size  }
0x9a: {  	s5 =	simm.s32 $_size__tile_overlayer_lowered;
	s6 =	simm.s32 $_tile_overlayer_lowered  }
0x9b: {  	s22 =	simm.s32 $0x1BFF;
	s21 =	sshll.u32 s6, $0x1;
	s3 =	sadd.s32 s4, s19  }
0x9c: {  	s7 =	simm.s32 $0x0;
	s20 =	sshll.u32 s5, $0x1;
	s5 =	sadd.s32 s21, s3  }
0x9d: {  	[timem:s7], [sflag:s22] =	dma.local [hbm:s5], s20  }
0x9e: {  	_ =	swait.ge [sflag:s22], s20  }
0x9f: {  	s4 =	ssub.s32 $0x0, s20;
	[sflag:s22] =	ssyncset.done $0x0  }
0xa0: {  	[sflag:s22] =	ssyncadd.s32 s4;
	_ =	sdelay $0x1  }
0xa1: {  	s23 =	simm.s32 $0x1B8B  }
0xa2: {  	_ =	swait.ge [sflag:s23], $0x1  }
0xa3: {  	[sflag:s23] =	ssyncset.done $0x0  }
0xa4: {  	s25 =	simm.s32 $0x1B8E;
	s24 =	sld [smem:$0x3FFE];
	[sflag:s23] =	ssyncadd.s32 $0xFFFFFFFF  }
0xa5: {  	s26 =	simm.s32 $execute0_lowered;
	[smem:$0x3FD2] =	sst s25  }
0xa6: {  	s5 =	sshll.u32 s26, $0x1;
	_ =	strace $0x80000046;
	[dreg:$0x1] =	wrdreg $0xFFFFFFFF  }
0xa7: {  	s28 =	simm.s32 $_size_execute0_lowered;
	s3 =	sadd.s32 s3, s5;
	[dreg:$0x0] =	wrdreg $0x0  }
0xa8: {  	s5 =	sshll.u32 s28, $0x1;
	[dreg:$0x2] =	wrdreg s3  }
0xa9: {  	[dreg:$0x3] =	wrdreg s5  }
0xaa: {  	[dreg:$0x4] =	wrdreg $0xC0  }
0xab: {  	_ =	task [dreg:s7], $0x5FFFF  }
0xac: {  	[dreg:$0x1] =	wrdreg $0xFFFFFFFF  }
0xad: {  	[dreg:$0x0] =	wrdreg $0x60  }
0xae: {  	[dreg:$0x2] =	wrdreg s24  }
0xaf: {  	[dreg:$0x3] =	wrdreg s2  }
0xb0: {  	[dreg:$0x4] =	wrdreg $0x9  }
0xb1: {  	_ =	task.clear_ibuf [dreg:s7], $0x5FFFF;
	_ =	strace $0x90000046  }
0xb2: {  	s29 =	simm.s32 $0x9;
	_ =	strace $0x80000048  }
0xb3: {  	_ =	swait.ge [sflag:s29], $0x1  }
0xb4: {  	[sflag:s29] =	ssyncadd.s32 $0xFFFFFFFF  }
0xb5: {  	_ =	strace $0x90000048  }
0xb6: {  	_ =	sfence  }
0xb7: {  	s30 =	sld [smem:$0x0];
	_ =	sdelay $0x2  }
0xb8: {  	s31 =	sshll.u32 s1, $0xD;
	s1 =	sshrl.u32 s1, $0x2  }
0xb9: {  	s3 =	sand.u32 $0x4000, s31;
	s1 =	sadd.s32 s1, s30  }
0xba: {  	s0 =	sor.u32 s3, s0;
	s1 =	sshll.u32 s1, $0x11  }
0xbb: {  	s0 =	sor.u32 s1, s0  }
0xbc: {  	s0 =	sadd.s32 $0x8F2B, s0  }
0xbd: {  	[sflag:s0] =	ssyncadd.remote.s32 $0x1  }
0xbe: {  	_ =	sfence.sel $0xFFFF  }
0xbf: {  	[dreg:$0x0] =	wrdreg $0xFFFFFFFF;
	(pc) =	sbr.abs _section_cstart, $3  }
0xc0: {  	[dreg:$0x1] =	wrdreg $0xFFFFFFFF  }
0xc1: {  	_ =	task.clear_ibuf [dreg:s7], $0x2FFFF;
	_ =	strace $0x9FFFFFFF  }
0xc2: {  	(tm) =	ssettm $0x7FFFFFFF  }
0xc3: {  	_ =	shalt  }
tec
execute0_lowered:
.L_overlay_start_1:
0x0: {  	(tag) =	ssettag $0x1  }
0x1: {  	s0 =	srdreg.scid;
	s1 =	rddreg [dreg:$0x0]  }
0x2: {  	s2 =	stileid.u32;
	s3 =	rddreg [dreg:$0x1];
	s17 =	simm.s32 $0x880  }
0x3: {  	s18 =	simm.s32 $0x1080;
	s20 =	simm.s32 $0x1880;
	s21 =	simm.s32 $0x2080  }
0x4: {  	s6 =	simm.s32 $0x2880;
	s4 =	sshll.u32 s2, $0x5;
	s2 =	simm.s32 $0x0  }
0x5: {  	s7 =	simm.s32 $0x3080;
	s8 =	simm.s32 $0x3880;
	[smem:$0x7FF] =	sst s2  }
0x6: {  	s9 =	simm.s32 $0x4080;
	_ =	strace $0x80000047;
	[dreg:$0x5] =	wrdreg s17  }
0x7: {  	s10 =	simm.s32 $0x4880;
	s11 =	simm.s32 $0x5080;
	[dreg:$0x6] =	wrdreg s18  }
0x8: {  	s12 =	simm.s32 $0x5880;
	s13 =	simm.s32 $0x6080;
	[dreg:$0x7] =	wrdreg s20  }
0x9: {  	s14 =	simm.s32 $0x6880;
	s15 =	simm.s32 $0x7080;
	[dreg:$0x8] =	wrdreg s21  }
0xa: {  	s16 =	simm.s32 $0x7880;
	s22 =	simm.s32 $0x9080;
	[dreg:$0x9] =	wrdreg s6  }
0xb: {  	s23 =	simm.s32 $0x9880;
	s24 =	simm.s32 $0xA080;
	[dreg:$0xa] =	wrdreg s7  }
0xc: {  	s25 =	simm.s32 $0xA880;
	s26 =	simm.s32 $0xB080;
	[dreg:$0xb] =	wrdreg s8  }
0xd: {  	p0 =	por $0x0, $0x0;
	s28 =	simm.s32 $0xE080;
	[dreg:$0xc] =	wrdreg s9  }
0xe: {  	s29 =	simm.s32 $0xE880;
	s31 =	simm.s32 $0xF080;
	[dreg:$0xd] =	wrdreg s10  }
0xf: {  	s30 =	simm.s32 $0x1;
	s0 =	sand.u32 $0x1, s0;
	[dreg:$0xe] =	wrdreg s11  }
0x10: {  	s5 =	sshll.u32 s0, $0x4;
	s0 =	ssub.s32 $0x2, s0;
	[dreg:$0xf] =	wrdreg s12  }
0x11: {  	s4 =	sor.u32 s5, s4;
	s19 =	sshrl.u32 s0, $0x1;
	[dreg:$0x10] =	wrdreg s13  }
0x12: {  	s6 =	sadd.s32 $0x1D00, s1;
	s7 =	sadd.s32 $0x1E00, s1;
	[dreg:$0x11] =	wrdreg s14  }
0x13: {  	s8 =	sadd.s32 $0x1F00, s1;
	s9 =	sadd.s32 $0x2000, s1;
	[dreg:$0x12] =	wrdreg s15  }
0x14: {  	s10 =	sadd.s32 $0x2100, s1;
	s11 =	sadd.s32 $0x2200, s1;
	[dreg:$0x13] =	wrdreg s16  }
0x15: {  	s12 =	sadd.s32 $0x2300, s1;
	s13 =	sadd.s32 $0x2400, s1;
	[dreg:$0x16] =	wrdreg s22  }
0x16: {  	s14 =	sadd.s32 $0x2500, s1;
	s15 =	sadd.s32 $0x2600, s1;
	[dreg:$0x17] =	wrdreg s23  }
0x17: {  	s17 =	simm.s32 $0x8080;
	s16 =	sadd.s32 $0x2700, s1;
	[dreg:$0x18] =	wrdreg s24  }
0x18: {  	s18 =	simm.s32 $0x8880;
	s20 =	simm.s32 $0x80;
	[dreg:$0x19] =	wrdreg s25  }
0x19: {  	[dreg:$0x1a] =	wrdreg s26;
	s23 =	simm.s32 $0xC080;
	s24 =	simm.s32 $0xC880  }
0x1a: {  	s25 =	simm.s32 $0xD080;
	s26 =	simm.s32 $0xD880;
	s0 =	ssub.s32 s0, s19  }
0x1b: {  	s22 =	simm.s32 $0xF880;
	s5 =	sshrl.u32 s4, $0x3;
	s0 =	smax.u32 s0, $0x1  }
0x1c: {  	s4 =	sshll.u32 s4, $0x9;
	[dreg:$0x14] =	wrdreg s17;
	p1 =	sne.s32 s0, $0x1  }
.Ltmp0:
0x1d: {  	s17 =	sadd.s32 $0x2800, s1;
	[dreg:$0x15] =	wrdreg s18;
	(pc) =	sbr.rel @!p1 .LBB2_1-.Ltmp0, $4  }
0x1e: {  	s19 =	sadd.s32 $0x2900, s1;
	s5 =	sadd.s32 s5, s1;
	s4 =	sadd.s32 s3, s4  }
0x1f: {  	v1 =	vlaneseq.u32;
	s18 =	simm.s32 $0x2;
	s5 =	sadd.s32 $0x401A00, s5;
	[dreg:$0x4] =	wrdreg s4  }
0x20: {  	vm0 =	vmmov $0xffff;
	v0 =	vshrl.u32 v1, $0x3;
	s3 =	sadd.s32 $0x1A00, s1;
	s4 =	sadd.s32 $0x1B00, s1;
	[dreg:$0x3] =	wrdreg s5  }
0x21: {  	v2 =	vand.u32 $0x7, v1;
	v1 =	vor.u32 $0x8, v1;
	v0 =	vmul.u32 $0x8, v0;
	s21 =	sadd.s32 $0xFFFFFFFF, s0;
	s5 =	sadd.s32 $0x1C00, s1;
	s0 =	rddreg [dreg:$0x3]  }
0x22: {  	[tilespmem:s2], [sflag:$0x2] =	stream.linear.gather [hbm4b:s0+s2], $0x10, $0x38;
	[tilespmem:$0x10080] =	vst v63  }
0x23: {  	_ =	swait.ge [sflag:s18], $0x10  }
0x24: {  	[sflag:s18] =	ssyncset.done $0x0  }
0x25: {  	[sflag:s18] =	ssyncadd.s32 $0xFFFFFFF0  }
0x26: {  	v3 =	vld [tilespmem:$0x0];
	_ =	sdelay $0x4  }
0x27: {  	v4 =	vshll.u32 v3, $0x5  }
0x28: {  	v3 =	vand.u32 $0x7, v3;
	v4 =	vand.u32 $0xFFFFFF00, v4  }
0x29: {  	v3 =	vor.u32 v3, v4  }
0x2a: {  	v4 =	vperm.xlane v3, v2;
	_ =	sdelay $0x1  }
0x2b: {  	v4 =	vadd.s32 v0, v4;
	_ =	sdelay $0x4  }
0x2c: {  	[tilespmem:s20], [sflag:$0x1] =	stream.indirect_vreg.gather [hbm4b:s3+s2], $0x80, v4, vm0, $0xb8;
	[tilespmem:$0x10080] =	vst v63  }
0x2d: {  	s0 =	rddreg [dreg:$0x5]  }
0x2e: {  	[tilespmem:s0], [sflag:$0x1] =	stream.indirect_vreg.gather [hbm4b:s4+s2], $0x80, v4, vm0, $0xb8;
	[tilespmem:$0x10080] =	vst v63  }
0x2f: {  	s1 =	rddreg [dreg:$0x6]  }
0x30: {  	[tilespmem:s1], [sflag:$0x1] =	stream.indirect_vreg.gather [hbm4b:s5+s2], $0x80, v4, vm0, $0xb8;
	[tilespmem:$0x10080] =	vst v63  }
0x31: {  	s0 =	rddreg [dreg:$0x7]  }
0x32: {  	[tilespmem:s0], [sflag:$0x1] =	stream.indirect_vreg.gather [hbm4b:s6+s2], $0x80, v4, vm0, $0xb8;
	[tilespmem:$0x10080] =	vst v63  }
0x33: {  	s1 =	rddreg [dreg:$0x8]  }
0x34: {  	[tilespmem:s1], [sflag:$0x1] =	stream.indirect_vreg.gather [hbm4b:s7+s2], $0x80, v4, vm0, $0xb8;
	[tilespmem:$0x10080] =	vst v63  }
0x35: {  	s0 =	rddreg [dreg:$0x9]  }
0x36: {  	[tilespmem:s0], [sflag:$0x1] =	stream.indirect_vreg.gather [hbm4b:s8+s2], $0x80, v4, vm0, $0xb8;
	[tilespmem:$0x10080] =	vst v63  }
0x37: {  	s1 =	rddreg [dreg:$0xa]  }
0x38: {  	[tilespmem:s1], [sflag:$0x1] =	stream.indirect_vreg.gather [hbm4b:s9+s2], $0x80, v4, vm0, $0xb8;
	[tilespmem:$0x10080] =	vst v63  }
0x39: {  	s0 =	rddreg [dreg:$0xb]  }
0x3a: {  	[tilespmem:s0], [sflag:$0x1] =	stream.indirect_vreg.gather [hbm4b:s10+s2], $0x80, v4, vm0, $0xb8;
	[tilespmem:$0x10080] =	vst v63  }
0x3b: {  	s1 =	rddreg [dreg:$0xc]  }
0x3c: {  	[tilespmem:s1], [sflag:$0x1] =	stream.indirect_vreg.gather [hbm4b:s11+s2], $0x80, v4, vm0, $0xb8;
	[tilespmem:$0x10080] =	vst v63  }
0x3d: {  	s0 =	rddreg [dreg:$0xd]  }
0x3e: {  	[tilespmem:s0], [sflag:$0x1] =	stream.indirect_vreg.gather [hbm4b:s12+s2], $0x80, v4, vm0, $0xb8;
	[tilespmem:$0x10080] =	vst v63  }
0x3f: {  	s1 =	rddreg [dreg:$0xe]  }
0x40: {  	[tilespmem:s1], [sflag:$0x1] =	stream.indirect_vreg.gather [hbm4b:s13+s2], $0x80, v4, vm0, $0xb8;
	[tilespmem:$0x10080] =	vst v63  }
0x41: {  	s0 =	rddreg [dreg:$0xf]  }
0x42: {  	[tilespmem:s0], [sflag:$0x1] =	stream.indirect_vreg.gather [hbm4b:s14+s2], $0x80, v4, vm0, $0xb8;
	[tilespmem:$0x10080] =	vst v63  }
0x43: {  	s1 =	rddreg [dreg:$0x10]  }
0x44: {  	[tilespmem:s1], [sflag:$0x1] =	stream.indirect_vreg.gather [hbm4b:s15+s2], $0x80, v4, vm0, $0xb8;
	[tilespmem:$0x10080] =	vst v63  }
0x45: {  	v3 =	vperm.xlane v3, v1;
	s0 =	rddreg [dreg:$0x11]  }
0x46: {  	[tilespmem:s0], [sflag:$0x1] =	stream.indirect_vreg.gather [hbm4b:s16+s2], $0x80, v4, vm0, $0xb8;
	[tilespmem:$0x10080] =	vst v63  }
0x47: {  	v3 =	vadd.s32 v0, v3;
	s1 =	rddreg [dreg:$0x12]  }
0x48: {  	[tilespmem:s1], [sflag:$0x1] =	stream.indirect_vreg.gather [hbm4b:s17+s2], $0x80, v4, vm0, $0xb8;
	[tilespmem:$0x10080] =	vst v63  }
0x49: {  	s0 =	rddreg [dreg:$0x13]  }
0x4a: {  	[tilespmem:s0], [sflag:$0x1] =	stream.indirect_vreg.gather [hbm4b:s19+s2], $0x80, v4, vm0, $0xb8;
	[tilespmem:$0x10080] =	vst v63  }
0x4b: {  	s1 =	rddreg [dreg:$0x14]  }
0x4c: {  	[tilespmem:s1], [sflag:$0x1] =	stream.indirect_vreg.gather [hbm4b:s3+s2], $0x80, v3, vm0, $0xb8;
	[tilespmem:$0x10080] =	vst v63  }
0x4d: {  	s0 =	rddreg [dreg:$0x15]  }
0x4e: {  	[tilespmem:s0], [sflag:$0x1] =	stream.indirect_vreg.gather [hbm4b:s4+s2], $0x80, v3, vm0, $0xb8;
	[tilespmem:$0x10080] =	vst v63  }
0x4f: {  	s1 =	rddreg [dreg:$0x16]  }
0x50: {  	[tilespmem:s1], [sflag:$0x1] =	stream.indirect_vreg.gather [hbm4b:s5+s2], $0x80, v3, vm0, $0xb8;
	[tilespmem:$0x10080] =	vst v63  }
0x51: {  	s0 =	rddreg [dreg:$0x17]  }
0x52: {  	[tilespmem:s0], [sflag:$0x1] =	stream.indirect_vreg.gather [hbm4b:s6+s2], $0x80, v3, vm0, $0xb8;
	[tilespmem:$0x10080] =	vst v63  }
0x53: {  	s1 =	rddreg [dreg:$0x18]  }
0x54: {  	[tilespmem:s1], [sflag:$0x1] =	stream.indirect_vreg.gather [hbm4b:s7+s2], $0x80, v3, vm0, $0xb8;
	[tilespmem:$0x10080] =	vst v63  }
0x55: {  	s0 =	rddreg [dreg:$0x19]  }
0x56: {  	[tilespmem:s0], [sflag:$0x1] =	stream.indirect_vreg.gather [hbm4b:s8+s2], $0x80, v3, vm0, $0xb8;
	[tilespmem:$0x10080] =	vst v63  }
0x57: {  	s1 =	rddreg [dreg:$0x1a]  }
0x58: {  	[tilespmem:s1], [sflag:$0x1] =	stream.indirect_vreg.gather [hbm4b:s9+s2], $0x80, v3, vm0, $0xb8;
	[tilespmem:$0x10080] =	vst v63  }
0x59: {  	s1 =	simm.s32 $0xB880  }
0x5a: {  	[tilespmem:s1], [sflag:$0x1] =	stream.indirect_vreg.gather [hbm4b:s10+s2], $0x80, v3, vm0, $0xb8;
	[tilespmem:$0x10080] =	vst v63  }
0x5b: {  	_ = 	snop  }
0x5c: {  	[tilespmem:s23], [sflag:$0x1] =	stream.indirect_vreg.gather [hbm4b:s11+s2], $0x80, v3, vm0, $0xb8;
	[tilespmem:$0x10080] =	vst v63  }
0x5d: {  	_ = 	snop  }
0x5e: {  	[tilespmem:s24], [sflag:$0x1] =	stream.indirect_vreg.gather [hbm4b:s12+s2], $0x80, v3, vm0, $0xb8;
	[tilespmem:$0x10080] =	vst v63  }
0x5f: {  	_ = 	snop  }
0x60: {  	[tilespmem:s25], [sflag:$0x1] =	stream.indirect_vreg.gather [hbm4b:s13+s2], $0x80, v3, vm0, $0xb8;
	[tilespmem:$0x10080] =	vst v63  }
0x61: {  	_ = 	snop  }
0x62: {  	[tilespmem:s26], [sflag:$0x1] =	stream.indirect_vreg.gather [hbm4b:s14+s2], $0x80, v3, vm0, $0xb8;
	[tilespmem:$0x10080] =	vst v63  }
0x63: {  	_ = 	snop  }
0x64: {  	[tilespmem:s28], [sflag:$0x1] =	stream.indirect_vreg.gather [hbm4b:s15+s2], $0x80, v3, vm0, $0xb8;
	[tilespmem:$0x10080] =	vst v63  }
0x65: {  	_ = 	snop  }
0x66: {  	[tilespmem:s29], [sflag:$0x1] =	stream.indirect_vreg.gather [hbm4b:s16+s2], $0x80, v3, vm0, $0xb8;
	[tilespmem:$0x10080] =	vst v63  }
0x67: {  	_ = 	snop  }
0x68: {  	[tilespmem:s31], [sflag:$0x1] =	stream.indirect_vreg.gather [hbm4b:s17+s2], $0x80, v3, vm0, $0xb8;
	[tilespmem:$0x10080] =	vst v63  }
0x69: {  	_ = 	snop  }
0x6a: {  	[tilespmem:s22], [sflag:$0x1] =	stream.indirect_vreg.gather [hbm4b:s19+s2], $0x80, v3, vm0, $0xb8;
	[tilespmem:$0x10080] =	vst v63  }
0x6b: {  	p1 =	sne.s32 s21, $0x1;
	_ =	swait.ge [sflag:s30], $0x10000  }
.Ltmp1:
0x6c: {  	[sflag:s30] =	ssyncset.done $0x0;
	(pc) =	sbr.rel @!p1 .LBB2_3-.Ltmp1, $4  }
0x6d: {  	s1 =	rddreg [dreg:$0x4];
	[sflag:s30] =	ssyncadd.s32 $0xFFFF0000  }
0x6e: {  	[hbm4b:s1+s2] =	stream.linear.scatter [tilespmem:s20], [sflag:$0x2], $0x10000, $0x38;
	[tilespmem:$0x10080] =	vst v63  }
0x6f: {  	p0 =	por $0x1, $0x1;
	_ =	swait.ge [sflag:s18], $0x10000  }
0x70: {  	s1 =	sadd.s32 $0xFFFFFFFF, s21;
	s0 =	rddreg [dreg:$0x3];
	[sflag:s18] =	ssyncset.done $0x0  }
.LBB2_4:
0x71: {  	[sflag:s18] =	ssyncadd.s32 $0xFFFF0000  }
0x72: {  	[tilespmem:s2], [sflag:$0x2] =	stream.linear.gather [hbm4b:s0+s2], $0x10, $0x38;
	[tilespmem:$0x10080] =	vst v63  }
0x73: {  	_ =	swait.ge [sflag:s18], $0x10  }
0x74: {  	[sflag:s18] =	ssyncset.done $0x0  }
0x75: {  	[sflag:s18] =	ssyncadd.s32 $0xFFFFFFF0  }
0x76: {  	v3 =	vld [tilespmem:$0x0];
	_ =	sdelay $0x4  }
0x77: {  	v4 =	vshll.u32 v3, $0x5  }
0x78: {  	v3 =	vand.u32 $0x7, v3;
	v4 =	vand.u32 $0xFFFFFF00, v4  }
0x79: {  	v3 =	vor.u32 v3, v4  }
0x7a: {  	v4 =	vperm.xlane v3, v2;
	_ =	sdelay $0x1  }
0x7b: {  	v4 =	vadd.s32 v0, v4;
	_ =	sdelay $0x4  }
0x7c: {  	[tilespmem:s20], [sflag:$0x1] =	stream.indirect_vreg.gather [hbm4b:s3+s2], $0x80, v4, vm0, $0xb8;
	[tilespmem:$0x10080] =	vst v63  }
0x7d: {  	s0 =	rddreg [dreg:$0x5]  }
0x7e: {  	[tilespmem:s0], [sflag:$0x1] =	stream.indirect_vreg.gather [hbm4b:s4+s2], $0x80, v4, vm0, $0xb8;
	[tilespmem:$0x10080] =	vst v63  }
0x7f: {  	s21 =	rddreg [dreg:$0x6]  }
0x80: {  	[tilespmem:s21], [sflag:$0x1] =	stream.indirect_vreg.gather [hbm4b:s5+s2], $0x80, v4, vm0, $0xb8;
	[tilespmem:$0x10080] =	vst v63  }
0x81: {  	s0 =	rddreg [dreg:$0x7]  }
0x82: {  	[tilespmem:s0], [sflag:$0x1] =	stream.indirect_vreg.gather [hbm4b:s6+s2], $0x80, v4, vm0, $0xb8;
	[tilespmem:$0x10080] =	vst v63  }
0x83: {  	s21 =	rddreg [dreg:$0x8]  }
0x84: {  	[tilespmem:s21], [sflag:$0x1] =	stream.indirect_vreg.gather [hbm4b:s7+s2], $0x80, v4, vm0, $0xb8;
	[tilespmem:$0x10080] =	vst v63  }
0x85: {  	s0 =	rddreg [dreg:$0x9]  }
0x86: {  	[tilespmem:s0], [sflag:$0x1] =	stream.indirect_vreg.gather [hbm4b:s8+s2], $0x80, v4, vm0, $0xb8;
	[tilespmem:$0x10080] =	vst v63  }
0x87: {  	s21 =	rddreg [dreg:$0xa]  }
0x88: {  	[tilespmem:s21], [sflag:$0x1] =	stream.indirect_vreg.gather [hbm4b:s9+s2], $0x80, v4, vm0, $0xb8;
	[tilespmem:$0x10080] =	vst v63  }
0x89: {  	s0 =	rddreg [dreg:$0xb]  }
0x8a: {  	[tilespmem:s0], [sflag:$0x1] =	stream.indirect_vreg.gather [hbm4b:s10+s2], $0x80, v4, vm0, $0xb8;
	[tilespmem:$0x10080] =	vst v63  }
0x8b: {  	s21 =	rddreg [dreg:$0xc]  }
0x8c: {  	[tilespmem:s21], [sflag:$0x1] =	stream.indirect_vreg.gather [hbm4b:s11+s2], $0x80, v4, vm0, $0xb8;
	[tilespmem:$0x10080] =	vst v63  }
0x8d: {  	s0 =	rddreg [dreg:$0xd]  }
0x8e: {  	[tilespmem:s0], [sflag:$0x1] =	stream.indirect_vreg.gather [hbm4b:s12+s2], $0x80, v4, vm0, $0xb8;
	[tilespmem:$0x10080] =	vst v63  }
0x8f: {  	s21 =	rddreg [dreg:$0xe]  }
0x90: {  	[tilespmem:s21], [sflag:$0x1] =	stream.indirect_vreg.gather [hbm4b:s13+s2], $0x80, v4, vm0, $0xb8;
	[tilespmem:$0x10080] =	vst v63  }
0x91: {  	s0 =	rddreg [dreg:$0xf]  }
0x92: {  	[tilespmem:s0], [sflag:$0x1] =	stream.indirect_vreg.gather [hbm4b:s14+s2], $0x80, v4, vm0, $0xb8;
	[tilespmem:$0x10080] =	vst v63  }
0x93: {  	s21 =	rddreg [dreg:$0x10]  }
0x94: {  	[tilespmem:s21], [sflag:$0x1] =	stream.indirect_vreg.gather [hbm4b:s15+s2], $0x80, v4, vm0, $0xb8;
	[tilespmem:$0x10080] =	vst v63  }
0x95: {  	v3 =	vperm.xlane v3, v1;
	s0 =	rddreg [dreg:$0x11]  }
0x96: {  	[tilespmem:s0], [sflag:$0x1] =	stream.indirect_vreg.gather [hbm4b:s16+s2], $0x80, v4, vm0, $0xb8;
	[tilespmem:$0x10080] =	vst v63  }
0x97: {  	v3 =	vadd.s32 v0, v3;
	s21 =	rddreg [dreg:$0x12]  }
0x98: {  	[tilespmem:s21], [sflag:$0x1] =	stream.indirect_vreg.gather [hbm4b:s17+s2], $0x80, v4, vm0, $0xb8;
	[tilespmem:$0x10080] =	vst v63  }
0x99: {  	s0 =	rddreg [dreg:$0x13]  }
0x9a: {  	[tilespmem:s0], [sflag:$0x1] =	stream.indirect_vreg.gather [hbm4b:s19+s2], $0x80, v4, vm0, $0xb8;
	[tilespmem:$0x10080] =	vst v63  }
0x9b: {  	s21 =	rddreg [dreg:$0x14]  }
0x9c: {  	[tilespmem:s21], [sflag:$0x1] =	stream.indirect_vreg.gather [hbm4b:s3+s2], $0x80, v3, vm0, $0xb8;
	[tilespmem:$0x10080] =	vst v63  }
0x9d: {  	s0 =	rddreg [dreg:$0x15]  }
0x9e: {  	[tilespmem:s0], [sflag:$0x1] =	stream.indirect_vreg.gather [hbm4b:s4+s2], $0x80, v3, vm0, $0xb8;
	[tilespmem:$0x10080] =	vst v63  }
0x9f: {  	s21 =	rddreg [dreg:$0x16]  }
0xa0: {  	[tilespmem:s21], [sflag:$0x1] =	stream.indirect_vreg.gather [hbm4b:s5+s2], $0x80, v3, vm0, $0xb8;
	[tilespmem:$0x10080] =	vst v63  }
0xa1: {  	s0 =	rddreg [dreg:$0x17]  }
0xa2: {  	[tilespmem:s0], [sflag:$0x1] =	stream.indirect_vreg.gather [hbm4b:s6+s2], $0x80, v3, vm0, $0xb8;
	[tilespmem:$0x10080] =	vst v63  }
0xa3: {  	s21 =	rddreg [dreg:$0x18]  }
0xa4: {  	[tilespmem:s21], [sflag:$0x1] =	stream.indirect_vreg.gather [hbm4b:s7+s2], $0x80, v3, vm0, $0xb8;
	[tilespmem:$0x10080] =	vst v63  }
0xa5: {  	s0 =	rddreg [dreg:$0x19]  }
0xa6: {  	[tilespmem:s0], [sflag:$0x1] =	stream.indirect_vreg.gather [hbm4b:s8+s2], $0x80, v3, vm0, $0xb8;
	[tilespmem:$0x10080] =	vst v63  }
0xa7: {  	s21 =	rddreg [dreg:$0x1a]  }
0xa8: {  	[tilespmem:s21], [sflag:$0x1] =	stream.indirect_vreg.gather [hbm4b:s9+s2], $0x80, v3, vm0, $0xb8;
	[tilespmem:$0x10080] =	vst v63  }
0xa9: {  	s21 =	simm.s32 $0xB880  }
0xaa: {  	[tilespmem:s21], [sflag:$0x1] =	stream.indirect_vreg.gather [hbm4b:s10+s2], $0x80, v3, vm0, $0xb8;
	[tilespmem:$0x10080] =	vst v63  }
0xab: {  	_ = 	snop  }
0xac: {  	[tilespmem:s23], [sflag:$0x1] =	stream.indirect_vreg.gather [hbm4b:s11+s2], $0x80, v3, vm0, $0xb8;
	[tilespmem:$0x10080] =	vst v63  }
0xad: {  	_ = 	snop  }
0xae: {  	[tilespmem:s24], [sflag:$0x1] =	stream.indirect_vreg.gather [hbm4b:s12+s2], $0x80, v3, vm0, $0xb8;
	[tilespmem:$0x10080] =	vst v63  }
0xaf: {  	_ = 	snop  }
0xb0: {  	[tilespmem:s25], [sflag:$0x1] =	stream.indirect_vreg.gather [hbm4b:s13+s2], $0x80, v3, vm0, $0xb8;
	[tilespmem:$0x10080] =	vst v63  }
0xb1: {  	_ = 	snop  }
0xb2: {  	[tilespmem:s26], [sflag:$0x1] =	stream.indirect_vreg.gather [hbm4b:s14+s2], $0x80, v3, vm0, $0xb8;
	[tilespmem:$0x10080] =	vst v63  }
0xb3: {  	_ = 	snop  }
0xb4: {  	[tilespmem:s28], [sflag:$0x1] =	stream.indirect_vreg.gather [hbm4b:s15+s2], $0x80, v3, vm0, $0xb8;
	[tilespmem:$0x10080] =	vst v63  }
0xb5: {  	_ = 	snop  }
0xb6: {  	[tilespmem:s29], [sflag:$0x1] =	stream.indirect_vreg.gather [hbm4b:s16+s2], $0x80, v3, vm0, $0xb8;
	[tilespmem:$0x10080] =	vst v63  }
0xb7: {  	_ = 	snop  }
0xb8: {  	[tilespmem:s31], [sflag:$0x1] =	stream.indirect_vreg.gather [hbm4b:s17+s2], $0x80, v3, vm0, $0xb8;
	[tilespmem:$0x10080] =	vst v63  }
0xb9: {  	_ = 	snop  }
0xba: {  	[tilespmem:s22], [sflag:$0x1] =	stream.indirect_vreg.gather [hbm4b:s19+s2], $0x80, v3, vm0, $0xb8;
	[tilespmem:$0x10080] =	vst v63  }
0xbb: {  	p1 =	sne.s32 s1, $0x1;
	_ =	swait.ge [sflag:s30], $0x10000  }
.Ltmp2:
0xbc: {  	[sflag:s30] =	ssyncset.done $0x0;
	(pc) =	sbr.rel @p1 .LBB2_4-.Ltmp2, $4  }
0xbd: {  	s21 =	rddreg [dreg:$0x4];
	[sflag:s30] =	ssyncadd.s32 $0xFFFF0000  }
0xbe: {  	[hbm4b:s21+s2] =	stream.linear.scatter [tilespmem:s20], [sflag:$0x2], $0x10000, $0x38;
	[tilespmem:$0x10080] =	vst v63  }
0xbf: {  	_ =	swait.ge [sflag:s18], $0x10000  }
0xc0: {  	s1 =	sadd.s32 $0xFFFFFFFF, s1;
	s0 =	rddreg [dreg:$0x3];
	[sflag:s18] =	ssyncset.done $0x0  }
0xc1: {  	s21 =	simm.s32 $0xF880;
	s31 =	simm.s32 $0xF080;
	s29 =	simm.s32 $0xE880  }
0xc2: {  	s28 =	simm.s32 $0xE080;
	s26 =	simm.s32 $0xD880;
	s25 =	simm.s32 $0xD080  }
0xc3: {  	s24 =	simm.s32 $0xC880;
	s23 =	simm.s32 $0xC080;
	s22 =	simm.s32 $0xB880  }
.LBB2_6:
0xc4: {  	[sflag:s18] =	ssyncadd.s32 @p0 $0xFFFF0000  }
0xc5: {  	[tilespmem:s2], [sflag:$0x2] =	stream.linear.gather [hbm4b:s0+s2], $0x10, $0x38;
	[tilespmem:$0x10080] =	vst v63  }
0xc6: {  	_ =	swait.ge [sflag:s18], $0x10  }
0xc7: {  	[sflag:s18] =	ssyncset.done $0x0  }
0xc8: {  	[sflag:s18] =	ssyncadd.s32 $0xFFFFFFF0  }
0xc9: {  	v3 =	vld [tilespmem:$0x0];
	_ =	sdelay $0x4  }
0xca: {  	v4 =	vshll.u32 v3, $0x5  }
0xcb: {  	v3 =	vand.u32 $0x7, v3;
	v4 =	vand.u32 $0xFFFFFF00, v4  }
0xcc: {  	v3 =	vor.u32 v3, v4  }
0xcd: {  	v2 =	vperm.xlane v3, v2;
	_ =	sdelay $0x1  }
0xce: {  	v2 =	vadd.s32 v0, v2;
	_ =	sdelay $0x4  }
0xcf: {  	[tilespmem:s20], [sflag:$0x1] =	stream.indirect_vreg.gather [hbm4b:s3+s2], $0x80, v2, vm0, $0xb8;
	[tilespmem:$0x10080] =	vst v63  }
0xd0: {  	s0 =	rddreg [dreg:$0x5]  }
0xd1: {  	[tilespmem:s0], [sflag:$0x1] =	stream.indirect_vreg.gather [hbm4b:s4+s2], $0x80, v2, vm0, $0xb8;
	[tilespmem:$0x10080] =	vst v63  }
0xd2: {  	s1 =	rddreg [dreg:$0x6]  }
0xd3: {  	[tilespmem:s1], [sflag:$0x1] =	stream.indirect_vreg.gather [hbm4b:s5+s2], $0x80, v2, vm0, $0xb8;
	[tilespmem:$0x10080] =	vst v63  }
0xd4: {  	s0 =	rddreg [dreg:$0x7]  }
0xd5: {  	[tilespmem:s0], [sflag:$0x1] =	stream.indirect_vreg.gather [hbm4b:s6+s2], $0x80, v2, vm0, $0xb8;
	[tilespmem:$0x10080] =	vst v63  }
0xd6: {  	s1 =	rddreg [dreg:$0x8]  }
0xd7: {  	[tilespmem:s1], [sflag:$0x1] =	stream.indirect_vreg.gather [hbm4b:s7+s2], $0x80, v2, vm0, $0xb8;
	[tilespmem:$0x10080] =	vst v63  }
0xd8: {  	s0 =	rddreg [dreg:$0x9]  }
0xd9: {  	[tilespmem:s0], [sflag:$0x1] =	stream.indirect_vreg.gather [hbm4b:s8+s2], $0x80, v2, vm0, $0xb8;
	[tilespmem:$0x10080] =	vst v63  }
0xda: {  	s1 =	rddreg [dreg:$0xa]  }
0xdb: {  	[tilespmem:s1], [sflag:$0x1] =	stream.indirect_vreg.gather [hbm4b:s9+s2], $0x80, v2, vm0, $0xb8;
	[tilespmem:$0x10080] =	vst v63  }
0xdc: {  	s0 =	rddreg [dreg:$0xb]  }
0xdd: {  	[tilespmem:s0], [sflag:$0x1] =	stream.indirect_vreg.gather [hbm4b:s10+s2], $0x80, v2, vm0, $0xb8;
	[tilespmem:$0x10080] =	vst v63  }
0xde: {  	s1 =	rddreg [dreg:$0xc]  }
0xdf: {  	[tilespmem:s1], [sflag:$0x1] =	stream.indirect_vreg.gather [hbm4b:s11+s2], $0x80, v2, vm0, $0xb8;
	[tilespmem:$0x10080] =	vst v63  }
0xe0: {  	s0 =	rddreg [dreg:$0xd]  }
0xe1: {  	[tilespmem:s0], [sflag:$0x1] =	stream.indirect_vreg.gather [hbm4b:s12+s2], $0x80, v2, vm0, $0xb8;
	[tilespmem:$0x10080] =	vst v63  }
0xe2: {  	s1 =	rddreg [dreg:$0xe]  }
0xe3: {  	[tilespmem:s1], [sflag:$0x1] =	stream.indirect_vreg.gather [hbm4b:s13+s2], $0x80, v2, vm0, $0xb8;
	[tilespmem:$0x10080] =	vst v63  }
0xe4: {  	s0 =	rddreg [dreg:$0xf]  }
0xe5: {  	[tilespmem:s0], [sflag:$0x1] =	stream.indirect_vreg.gather [hbm4b:s14+s2], $0x80, v2, vm0, $0xb8;
	[tilespmem:$0x10080] =	vst v63  }
0xe6: {  	s1 =	rddreg [dreg:$0x10]  }
0xe7: {  	[tilespmem:s1], [sflag:$0x1] =	stream.indirect_vreg.gather [hbm4b:s15+s2], $0x80, v2, vm0, $0xb8;
	[tilespmem:$0x10080] =	vst v63  }
0xe8: {  	v1 =	vperm.xlane v3, v1;
	s0 =	rddreg [dreg:$0x11]  }
0xe9: {  	[tilespmem:s0], [sflag:$0x1] =	stream.indirect_vreg.gather [hbm4b:s16+s2], $0x80, v2, vm0, $0xb8;
	[tilespmem:$0x10080] =	vst v63  }
0xea: {  	v63 =	vadd.s32 v0, v1;
	s1 =	rddreg [dreg:$0x12]  }
0xeb: {  	[tilespmem:s1], [sflag:$0x1] =	stream.indirect_vreg.gather [hbm4b:s17+s2], $0x80, v2, vm0, $0xb8;
	[tilespmem:$0x10080] =	vst v63  }
0xec: {  	s0 =	rddreg [dreg:$0x13]  }
0xed: {  	[tilespmem:s0], [sflag:$0x1] =	stream.indirect_vreg.gather [hbm4b:s19+s2], $0x80, v2, vm0, $0xb8;
	[tilespmem:$0x10080] =	vst v63  }
0xee: {  	s1 =	rddreg [dreg:$0x14]  }
0xef: {  	[tilespmem:s1], [sflag:$0x1] =	stream.indirect_vreg.gather [hbm4b:s3+s2], $0x80, v63, vm0, $0xb8;
	[tilespmem:$0x10080] =	vst v63  }
0xf0: {  	s0 =	rddreg [dreg:$0x15]  }
0xf1: {  	[tilespmem:s0], [sflag:$0x1] =	stream.indirect_vreg.gather [hbm4b:s4+s2], $0x80, v63, vm0, $0xb8;
	[tilespmem:$0x10080] =	vst v63  }
0xf2: {  	s3 =	rddreg [dreg:$0x16]  }
0xf3: {  	[tilespmem:s3], [sflag:$0x1] =	stream.indirect_vreg.gather [hbm4b:s5+s2], $0x80, v63, vm0, $0xb8;
	[tilespmem:$0x10080] =	vst v63  }
0xf4: {  	s4 =	rddreg [dreg:$0x17]  }
0xf5: {  	[tilespmem:s4], [sflag:$0x1] =	stream.indirect_vreg.gather [hbm4b:s6+s2], $0x80, v63, vm0, $0xb8;
	[tilespmem:$0x10080] =	vst v63  }
0xf6: {  	s5 =	rddreg [dreg:$0x18]  }
0xf7: {  	[tilespmem:s5], [sflag:$0x1] =	stream.indirect_vreg.gather [hbm4b:s7+s2], $0x80, v63, vm0, $0xb8;
	[tilespmem:$0x10080] =	vst v63  }
0xf8: {  	s6 =	rddreg [dreg:$0x19]  }
0xf9: {  	[tilespmem:s6], [sflag:$0x1] =	stream.indirect_vreg.gather [hbm4b:s8+s2], $0x80, v63, vm0, $0xb8;
	[tilespmem:$0x10080] =	vst v63  }
0xfa: {  	s7 =	rddreg [dreg:$0x1a]  }
0xfb: {  	[tilespmem:s7], [sflag:$0x1] =	stream.indirect_vreg.gather [hbm4b:s9+s2], $0x80, v63, vm0, $0xb8;
	[tilespmem:$0x10080] =	vst v63  }
0xfc: {  	_ = 	snop  }
0xfd: {  	[tilespmem:s22], [sflag:$0x1] =	stream.indirect_vreg.gather [hbm4b:s10+s2], $0x80, v63, vm0, $0xb8;
	[tilespmem:$0x10080] =	vst v63  }
0xfe: {  	_ = 	snop  }
0xff: {  	[tilespmem:s23], [sflag:$0x1] =	stream.indirect_vreg.gather [hbm4b:s11+s2], $0x80, v63, vm0, $0xb8;
	[tilespmem:$0x10080] =	vst v63  }
0x100: {  	_ = 	snop  }
0x101: {  	[tilespmem:s24], [sflag:$0x1] =	stream.indirect_vreg.gather [hbm4b:s12+s2], $0x80, v63, vm0, $0xb8;
	[tilespmem:$0x10080] =	vst v63  }
0x102: {  	_ = 	snop  }
0x103: {  	[tilespmem:s25], [sflag:$0x1] =	stream.indirect_vreg.gather [hbm4b:s13+s2], $0x80, v63, vm0, $0xb8;
	[tilespmem:$0x10080] =	vst v63  }
0x104: {  	_ = 	snop  }
0x105: {  	[tilespmem:s26], [sflag:$0x1] =	stream.indirect_vreg.gather [hbm4b:s14+s2], $0x80, v63, vm0, $0xb8;
	[tilespmem:$0x10080] =	vst v63  }
0x106: {  	_ = 	snop  }
0x107: {  	[tilespmem:s28], [sflag:$0x1] =	stream.indirect_vreg.gather [hbm4b:s15+s2], $0x80, v63, vm0, $0xb8;
	[tilespmem:$0x10080] =	vst v63  }
0x108: {  	_ = 	snop  }
0x109: {  	[tilespmem:s29], [sflag:$0x1] =	stream.indirect_vreg.gather [hbm4b:s16+s2], $0x80, v63, vm0, $0xb8;
	[tilespmem:$0x10080] =	vst v63  }
0x10a: {  	_ = 	snop  }
0x10b: {  	[tilespmem:s31], [sflag:$0x1] =	stream.indirect_vreg.gather [hbm4b:s17+s2], $0x80, v63, vm0, $0xb8;
	[tilespmem:$0x10080] =	vst v63  }
0x10c: {  	_ = 	snop  }
0x10d: {  	[tilespmem:s21], [sflag:$0x1] =	stream.indirect_vreg.gather [hbm4b:s19+s2], $0x80, v63, vm0, $0xb8;
	[tilespmem:$0x10080] =	vst v63  }
0x10e: {  	_ =	swait.ge [sflag:s30], $0x10000  }
0x10f: {  	[sflag:s30] =	ssyncset.done $0x0  }
0x110: {  	s29 =	rddreg [dreg:$0x4];
	[sflag:s30] =	ssyncadd.s32 $0xFFFF0000  }
0x111: {  	[hbm4b:s29+s2] =	stream.linear.scatter [tilespmem:s20], [sflag:$0x2], $0x10000, $0x38;
	[tilespmem:$0x10080] =	vst v63  }
0x112: {  	_ =	swait.ge [sflag:s18], $0x10000  }
0x113: {  	[sflag:s18] =	ssyncset.done $0x0  }
0x114: {  	[sflag:s18] =	ssyncadd.s32 $0xFFFF0000  }
0x115: {  	_ =	sfence.sel $0x180000  }
0x116: {  	[bflag:$0x0] =	sbarrier.arrive $0xFFFF  }
0x117: {  	_ =	strace $0x90000047  }
0x118: {  	s31 =	stileid.u32;
	[bflag:$0x2] =	sbarrier.arrive $0xFFFF  }
0x119: {  	p0 =	sne.s32 s31, $0x0;
	s0 =	rddreg [dreg:$0x2]  }
0x11a: {  	s0 =	sadd.s32 @!p0 $0x100000, s0  }
0x11b: {  	[sflag:s0] =	ssyncadd.tile.s32 @!p0 $0x1;
	_ =	shalt  }
.LBB2_1:
.Ltmp3:
0x11c: {  	(pc) =	sbr.rel .LBB2_6-.Ltmp3, $4  }
0x11d: {  	_ = 	snop  }
0x11e: {  	s21 =	simm.s32 $0xF880;
	s31 =	simm.s32 $0xF080;
	s29 =	simm.s32 $0xE880  }
0x11f: {  	s28 =	simm.s32 $0xE080;
	s26 =	simm.s32 $0xD880;
	s25 =	simm.s32 $0xD080  }
0x120: {  	s24 =	simm.s32 $0xC880;
	s23 =	simm.s32 $0xC080;
	s22 =	simm.s32 $0xB880  }
.LBB2_3:
.Ltmp4:
0x121: {  	(pc) =	sbr.rel .LBB2_6-.Ltmp4, $4  }
0x122: {  	_ = 	snop  }
0x123: {  	s21 =	simm.s32 $0xF880;
	s31 =	simm.s32 $0xF080;
	s29 =	simm.s32 $0xE880  }
0x124: {  	s28 =	simm.s32 $0xE080;
	s26 =	simm.s32 $0xD880;
	s25 =	simm.s32 $0xD080  }
0x125: {  	s24 =	simm.s32 $0xC880;
	s23 =	simm.s32 $0xC080;
	s22 =	simm.s32 $0xB880  }
.Lfunc_end2:
_tile_overlayer_lowered:
.L_overlay_start_2:
0x126: {  	(tag) =	ssettag $0x2  }
0x127: {  	s0 =	rddreg [dreg:$0x0];
	s2 =	stileid.u32  }
0x128: {  	s1 =	rddreg [dreg:$0x1];
	p0 =	sne.s32 s2, $0x0  }
0x129: {  	s3 =	rddreg [dreg:$0x2];
	[bflag:$0x3] =	sbarrier.arrive $0xFFFF;
	s2 =	simm.s32 @!p0 $0x1C02  }
0x12a: {  	[timem:s3], [sflag:s2] =	dma.local @!p0 [hbm:s0], s1  }
0x12b: {  	s0 =	simm.s32 @!p0 $0x2  }
0x12c: {  	_ =	swait.ge @!p0 [sflag:s0], s1  }
0x12d: {  	s1 =	ssub.s32 @!p0 $0x0, s1;
	[sflag:s0] =	ssyncset.done @!p0 $0x0  }
0x12e: {  	[sflag:s0] =	ssyncadd.s32 @!p0 s1  }
0x12f: {  	[bflag:$0x3] =	sbarrier.arrive $0xFFFF  }
0x130: {  	_ =	shalt  }

</sc_bundles>
